<compile_context>
chip_gen: v7x
topology: tpu7x:2x2x1
jax: 0.10.2.dev20260603
libtpu: 0.0.44.dev20260713+nightly
codegen_flags: <defaults>
</compile_context>

<pallas_src>
import functools
import math

import jax
import jax.numpy as jnp
from jax import lax
from jax.experimental import pallas as pl
from jax.experimental.pallas import tpu as pltpu
from jax.experimental.pallas import tpu_sc as plsc

_NX, _NY = 216, 248
_C, _HID = 64, 64
_CP = 128
_P = 4000
_B = 2
_NCELL = _NY * _NX
_QB = 1000
_YB = 8
_NYB = _NY // _YB
_TB = _YB * _NX
_NWA = 16
_PWA = (_P * _B) // _NWA
_MW = (_B * _NCELL) // _NWA
_MWPAD = ((_MW + 15) // 16) * 16
_NWB = 20
_PWB = (_P * _B) // _NWB


def _prep_body(hh_ref, ww_ref, p_ref, g1_ref, be1_ref, wq_ref, bq_ref,
               wk_ref, bk_ref, wv_ref, bv_ref,
               ne1_ref, q_ref, k_ref, v_ref):
    half = _C // 2
    j = lax.broadcasted_iota(jnp.int32, (1, half), 1).astype(jnp.float32)
    theta = jnp.exp(j * (-math.log(10000.0) / half))
    ah = hh_ref[...] * theta
    aw = ww_ref[...] * theta
    def _cos(v):
        u = v * v
        c = 1.0 / 479001600.0
        c = c * u - 1.0 / 3628800.0
        c = c * u + 1.0 / 40320.0
        c = c * u - 1.0 / 720.0
        c = c * u + 1.0 / 24.0
        c = c * u - 0.5
        return c * u + 1.0
    cd = _cos(ah - aw)
    cs = _cos(ah + aw)
    cc = 0.5 * (cd + cs)
    ss = 0.5 * (cd - cs)
    p = p_ref[...]
    x1 = p[:, :half]
    x2 = p[:, half:]
    ne1 = jnp.concatenate([x1 + x1 * cc - x2 * ss,
                           x2 + x1 * ss + x2 * cc], axis=1)
    mu = jnp.mean(ne1, axis=-1, keepdims=True)
    d = ne1 - mu
    var = jnp.mean(d * d, axis=-1, keepdims=True)
    ne = d * lax.rsqrt(var + 1e-5) * g1_ref[...] + be1_ref[...]
    ne1_ref[...] = ne1
    q_ref[...] = jnp.dot(ne, wq_ref[...], preferred_element_type=jnp.float32) + bq_ref[...]
    k_ref[...] = jnp.dot(ne, wk_ref[...], preferred_element_type=jnp.float32) + bk_ref[...]
    v = jnp.dot(ne, wv_ref[...], preferred_element_type=jnp.float32) + bv_ref[...]
    v_ref[...] = jnp.concatenate(
        [v, jnp.ones((_P, 1), jnp.float32), jnp.zeros((_P, _CP - _C - 1), jnp.float32)],
        axis=1)


def _att_body(q_ref, ne1_ref, k_ref, v_ref, g2_ref, be2_ref,
              w1_ref, b1_ref, w2_ref, b2_ref, up_ref):
    s = lax.dot_general(q_ref[...], k_ref[...], (((1,), (1,)), ((), ())),
                        preferred_element_type=jnp.float32)
    e = jnp.exp(s)
    o = jnp.dot(e, v_ref[...], preferred_element_type=jnp.float32)
    att1 = o[:, :_C] / o[:, _C:_C + 1] + ne1_ref[...]
    mu = jnp.mean(att1, axis=-1, keepdims=True)
    d = att1 - mu
    var = jnp.mean(d * d, axis=-1, keepdims=True)
    t = d * lax.rsqrt(var + 1e-5) * g2_ref[...] + be2_ref[...]
    h = jnp.dot(t, w1_ref[...], preferred_element_type=jnp.float32) + b1_ref[...]
    h = h * 0.5 * (1.0 + lax.erf(h * (1.0 / math.sqrt(2.0))))
    up = (jnp.dot(h, w2_ref[...], preferred_element_type=jnp.float32)
          + b2_ref[...] + att1)
    up_ref[...] = jnp.concatenate([up, jnp.zeros_like(up)], axis=1)


def _sc_mask_body(idxg_hbm, mask_hbm, zero_v, idx_v, ones_v, sem):
    w = lax.axis_index("s")

    zvec = jnp.zeros((16,), jnp.float32)
    def _zb(i, c):
        zero_v[pl.ds(i * 16, 16)] = zvec
        return c
    lax.fori_loop(0, _MWPAD // 16, _zb, 0)
    ovec = jnp.ones((16,), jnp.float32)
    def _ob(i, c):
        ones_v[pl.ds(i * 16, 16)] = ovec
        return c
    lax.fori_loop(0, ((_PWA + 15) // 16 * 16) // 16, _ob, 0)

    pltpu.sync_copy(zero_v.at[pl.ds(0, _MW)], mask_hbm.at[pl.ds(w * _MW, _MW)])
    plsc.subcore_barrier()

    pltpu.sync_copy(idxg_hbm.at[w], idx_v)
    pltpu.async_copy(ones_v.at[pl.ds(0, _PWA)], mask_hbm.at[idx_v], sem).wait()


def _sc_scatter_body(up_hbm, idxg_hbm, dense_hbm, idx_v, rows_v, sem):
    cid = lax.axis_index("c")
    sid = lax.axis_index("s")
    w = sid * 2 + cid

    @pl.when(w < _NWB)
    def _():
        pltpu.sync_copy(idxg_hbm.at[w], idx_v)
        pltpu.sync_copy(up_hbm.at[w], rows_v)
        pltpu.async_copy(rows_v, dense_hbm.at[idx_v], sem).wait()


def _fin_body(dense_ref, mask_ref, out_ref):
    vals = dense_ref[...]
    m = mask_ref[...]
    pieces = [vals[r * _NX:(r + 1) * _NX, :_C].T[:, None, :] for r in range(_YB)]
    t = jnp.concatenate(pieces, axis=1)
    out_ref[...] = jnp.where(m[None, :, :] > 0.5, t, 0.0)


def kernel(pillar_features, voxel_coords, batch_size, Wq, bq, Wk, bk, Wv, bv,
           W1, b1, W2, b2, g1, beta1, g2, beta2):
    f32 = jnp.float32
    p = pillar_features.astype(f32).reshape(_B, _P, _C)
    vc = voxel_coords.astype(jnp.int32)
    y = vc[:, 2].astype(f32).reshape(_B, _P, 1)
    x = vc[:, 3].astype(f32).reshape(_B, _P, 1)
    hh = y * (2.0 / (_NY - 1)) - 1.0
    ww = x * (2.0 / (_NX - 1)) - 1.0
    idxg = (vc[:, 0] * _NCELL + vc[:, 1] + vc[:, 2] * _NX + vc[:, 3])

    wspec = lambda *shape: pl.BlockSpec(shape, lambda *a: (0,) * len(shape))
    bspec = pl.BlockSpec((None, _P, _C), lambda b: (b, 0, 0))
    hspec = pl.BlockSpec((None, _P, 1), lambda b: (b, 0, 0))
    ne1, q, k, v = pl.pallas_call(
        _prep_body,
        grid=(_B,),
        in_specs=[hspec, hspec, bspec,
                  wspec(_C), wspec(_C),
                  wspec(_C, _HID), wspec(_HID),
                  wspec(_C, _HID), wspec(_HID),
                  wspec(_C, _HID), wspec(_HID)],
        out_specs=[bspec, bspec, bspec,
                   pl.BlockSpec((None, _P, _CP), lambda b: (b, 0, 0))],
        out_shape=[jax.ShapeDtypeStruct((_B, _P, _C), f32)] * 3
        + [jax.ShapeDtypeStruct((_B, _P, _CP), f32)],
    )(hh, ww, p, g1, beta1, Wq, bq, Wk, bk, Wv, bv)

    nq = _P // _QB
    qspec = pl.BlockSpec((None, _QB, _C), lambda b, i: (b, i, 0))
    up = pl.pallas_call(
        _att_body,
        grid=(_B, nq),
        in_specs=[qspec, qspec,
                  pl.BlockSpec((None, _P, _C), lambda b, i: (b, 0, 0)),
                  pl.BlockSpec((None, _P, _CP), lambda b, i: (b, 0, 0)),
                  wspec(_C), wspec(_C),
                  wspec(_HID, _HID), wspec(_HID),
                  wspec(_HID, _C), wspec(_C)],
        out_specs=pl.BlockSpec((None, _QB, _CP), lambda b, i: (b, i, 0)),
        out_shape=jax.ShapeDtypeStruct((_B, _P, _CP), f32),
    )(q, ne1, k, v, g2, beta2, W1, b1, W2, b2)

    mesh1 = plsc.VectorSubcoreMesh(core_axis_name="c", subcore_axis_name="s",
                                   num_cores=1)
    mask = pl.kernel(
        _sc_mask_body,
        out_type=jax.ShapeDtypeStruct((_B * _NCELL,), f32),
        mesh=mesh1,
        scratch_types=[pltpu.VMEM((_MWPAD,), f32),
                       pltpu.VMEM((_PWA,), jnp.int32),
                       pltpu.VMEM(((_PWA + 15) // 16 * 16,), f32),
                       pltpu.SemaphoreType.DMA],
        compiler_params=pltpu.CompilerParams(use_tc_tiling_on_sc=False),
    )(idxg.reshape(_NWA, _PWA))

    mesh2 = plsc.VectorSubcoreMesh(core_axis_name="c", subcore_axis_name="s")
    dense = pl.kernel(
        _sc_scatter_body,
        out_type=jax.ShapeDtypeStruct((_B * _NCELL, _CP), f32),
        mesh=mesh2,
        scratch_types=[pltpu.VMEM((_PWB,), jnp.int32),
                       pltpu.VMEM((_PWB, _CP), f32),
                       pltpu.SemaphoreType.DMA],
    )(up.reshape(_NWB, _PWB, _CP), idxg.reshape(_NWB, _PWB))

    out = pl.pallas_call(
        _fin_body,
        grid=(_B, _NYB),
        in_specs=[pl.BlockSpec((_TB, _CP), lambda b, j: (b * _NYB + j, 0)),
                  pl.BlockSpec((_YB, _NX), lambda b, j: (b * _NYB + j, 0))],
        out_specs=pl.BlockSpec((None, _C, _YB, _NX), lambda b, j: (b, 0, j, 0)),
        out_shape=jax.ShapeDtypeStruct((_B, _C, _NY, _NX), f32),
    )(dense, mask.reshape(_B * _NY, _NX))
    return out

# --- scband reference (transcript-rebuilt; emitter-appended) ---
"""Pipeline reference for scband-point-pillar-scatter-spa-59115929862334 (READ-ONLY COPY).

The authoritative reference and input builder live on the scoring server;
editing this copy changes nothing except your own understanding.
"""

import jax, jax.numpy as jnp
import numpy as np

NX, NY, NZ, C, HID = 216, 248, 1, 64, 64


def _layernorm(x, g, b, eps=1e-5):
    mu = jnp.mean(x, axis=-1, keepdims=True)
    var = jnp.mean((x - mu) ** 2, axis=-1, keepdims=True)
    return (x - mu) / jnp.sqrt(var + eps) * g + b


def _apply_rope(x, H, W):
    half = x.shape[-1] // 2
    theta = 10000.0 ** (-(jnp.arange(half, dtype=jnp.float32) / half))
    hh, ww = jnp.meshgrid(jnp.linspace(-1.0, 1.0, H), jnp.linspace(-1.0, 1.0, W), indexing='ij')
    h_sin = jnp.sin(hh[:, :, None] * theta)
    h_cos = jnp.cos(hh[:, :, None] * theta)
    w_sin = jnp.sin(ww[:, :, None] * theta)
    w_cos = jnp.cos(ww[:, :, None] * theta)
    x1, x2 = x[..., :half], x[..., half:]
    return jnp.concatenate([x1 * h_cos * w_cos - x2 * h_sin * w_sin,
                            x1 * h_sin * w_sin + x2 * h_cos * w_cos], axis=-1)


def setup_inputs(seed: int = 0):
    key = jax.random.key(seed)
    ks = jax.random.split(key, 12)
    P_per, B = 4000, 2
    pillar_features = jax.random.normal(ks[0], (P_per * B, C), dtype=jnp.float32)
    coords_list = []
    for b in range(B):
        idx = jax.random.permutation(ks[1 + b], NY * NX)[:P_per]
        y = idx // NX
        x = idx % NX
        z = jnp.zeros_like(idx)
        bcol = jnp.full_like(idx, b)
        coords_list.append(jnp.stack([bcol, z, y, x], axis=1))
    voxel_coords = jnp.concatenate(coords_list, axis=0)

    def lin(k, fin, fout):
        return (jax.random.normal(k, (fin, fout), dtype=jnp.float32) * 0.05)

    inp = {
        'pillar_features': pillar_features,
        'voxel_coords': voxel_coords,
        'batch_size': B,
        'Wq': lin(ks[3], C, HID), 'bq': jnp.zeros((HID,), jnp.float32),
        'Wk': lin(ks[4], C, HID), 'bk': jnp.zeros((HID,), jnp.float32),
        'Wv': lin(ks[5], C, HID), 'bv': jnp.zeros((HID,), jnp.float32),
        'W1': lin(ks[6], HID, HID), 'b1': jnp.zeros((HID,), jnp.float32),
        'W2': lin(ks[7], HID, C), 'b2': jnp.zeros((C,), jnp.float32),
        'g1': jnp.ones((C,), jnp.float32), 'beta1': jnp.zeros((C,), jnp.float32),
        'g2': jnp.ones((C,), jnp.float32), 'beta2': jnp.zeros((C,), jnp.float32),
    }
    return inp


def reference(pillar_features, voxel_coords, batch_size, Wq, bq, Wk, bk, Wv, bv, W1, b1, W2, b2, g1, beta1, g2, beta2):
    P_per = pillar_features.shape[0] // 2
    idx_all = voxel_coords[:, 1] + voxel_coords[:, 2] * NX + voxel_coords[:, 3]
    outs = []
    for b in range(2):
        mask = (voxel_coords[:, 0] == b) & (jnp.asarray(b) < batch_size)
        idx_safe = jnp.where(mask, idx_all, NY * NX)
        sf = jnp.zeros((C, NZ * NY * NX), dtype=pillar_features.dtype).at[:, idx_safe].set(pillar_features.T, mode='drop')
        smask = jnp.zeros((NY * NX,), dtype=bool).at[idx_safe].set(True, mode='drop')
        pf = sf.T
        rope = _apply_rope(pf.reshape(NY, NX, C), NY, NX)
        pf = (pf.reshape(NY, NX, C) + rope).reshape(NY * NX, C)
        sel = jnp.nonzero(smask, size=P_per, fill_value=0)[0]
        ne1 = pf[sel]
        ne = _layernorm(ne1, g1, beta1)
        Q = ne @ Wq + bq
        K = ne @ Wk + bk
        V = ne @ Wv + bv
        A = jax.nn.softmax(Q @ K.T, axis=-1)
        att1 = A @ V + ne1
        h = _layernorm(att1, g2, beta2) @ W1 + b1
        h = jax.nn.gelu(h, approximate=False)
        up = h @ W2 + b2 + att1
        out = pf.at[sel].set(up)
        outs.append(out.T)
    bsf = jnp.stack(outs, 0)
    return bsf.reshape(2, C * NZ, NY, NX)

if __name__ == "__main__":
    import jax
    _d = setup_inputs()
    print(jax.jit(kernel)(*tuple(_d.values())))

</pallas_src>

<mosaic_0001>
#map = affine_map<(d0, d1) -> (0, 0)>
#map1 = affine_map<(d0, d1) -> (0)>
module attributes {stable_mosaic.version = 14 : i64} {
  func.func @_sc_mask_body(%arg0: i32, %arg1: i32, %arg2: memref<16x500xi32, #tpu.memory_space<hbm>>, %arg3: memref<107136xf32, #tpu.memory_space<hbm>>, %arg4: memref<6704xf32, #tpu.memory_space<vmem>>, %arg5: memref<500xi32, #tpu.memory_space<vmem>>, %arg6: memref<512xf32, #tpu.memory_space<vmem>>, %arg7: memref<!tpu.dma_semaphore, #tpu.memory_space<semaphore_mem>>) attributes {dimension_semantics = [#tpu.dimension_semantics<core_parallel>, #tpu.dimension_semantics<subcore_parallel>], iteration_bounds = array<i64: 1, 16>, scalar_prefetch = 0 : i64, scratch_operands = 4 : i64, tpu.core_type = #tpu.core_type<sc_vector_subcore>, window_params = [{transform_indices = #map}, {transform_indices = #map1}]} {
    %broadcast_in_dim3A = arith.constant 0.000000e+00 : f32
    %broadcast_in_dim3A_0 = vector.broadcast %broadcast_in_dim3A : f32 to vector<16xf32>
    %scan3A = arith.constant 0 : i32
    %scan3A_1 = arith.constant 0 : i32
    %scan3A_2 = arith.constant 419 : i32
    %scan3A_3 = arith.addi %scan3A_1, %scan3A_2 : i32
    %scan3A_4 = arith.constant 1 : i32
    scf.for %scan3A_21 = %scan3A_1 to %scan3A_3 step %scan3A_4  : i32 {
      %mul3A_22 = arith.constant 16 : i32
      %mul3A_23 = arith.muli %scan3A_21, %mul3A_22 : i32
      %swap3A = arith.index_cast %mul3A_23 : i32 to index
      %swap3A_24 = tpu.vector_load %arg4[%swap3A] {strides = array<i32>} : memref<6704xf32, #tpu.memory_space<vmem>>, vector<16xf32>,
      %swap3A_25 = vector.shape_cast %swap3A_24 : vector<16xf32> to vector<16xf32>
      %swap3A_26 = vector.shape_cast %broadcast_in_dim3A_0 : vector<16xf32> to vector<16xf32>
      tpu.vector_store %arg4[%swap3A], %swap3A_26 {strides = array<i32>} : memref<6704xf32, #tpu.memory_space<vmem>>, vector<16xf32>,
    }
    %scan3A_5 = arith.constant 419 : i32
    %broadcast_in_dim3A_6 = arith.constant 1.000000e+00 : f32
    %broadcast_in_dim3A_7 = vector.broadcast %broadcast_in_dim3A_6 : f32 to vector<16xf32>
    %scan3A_8 = arith.constant 0 : i32
    %scan3A_9 = arith.constant 0 : i32
    %scan3A_10 = arith.constant 32 : i32
    %scan3A_11 = arith.addi %scan3A_9, %scan3A_10 : i32
    %scan3A_12 = arith.constant 1 : i32
    scf.for %scan3A_21 = %scan3A_9 to %scan3A_11 step %scan3A_12  : i32 {
      %mul3A_22 = arith.constant 16 : i32
      %mul3A_23 = arith.muli %scan3A_21, %mul3A_22 : i32
      %swap3A = arith.index_cast %mul3A_23 : i32 to index
      %swap3A_24 = tpu.vector_load %arg6[%swap3A] {strides = array<i32>} : memref<512xf32, #tpu.memory_space<vmem>>, vector<16xf32>,
      %swap3A_25 = vector.shape_cast %swap3A_24 : vector<16xf32> to vector<16xf32>
      %swap3A_26 = vector.shape_cast %broadcast_in_dim3A_7 : vector<16xf32> to vector<16xf32>
      tpu.vector_store %arg6[%swap3A], %swap3A_26 {strides = array<i32>} : memref<512xf32, #tpu.memory_space<vmem>>, vector<16xf32>,
    }
    %scan3A_13 = arith.constant 32 : i32
    %mul3A = arith.constant 6696 : i32
    %mul3A_14 = arith.muli %arg1, %mul3A : i32
    "tpu.region"() ({
      %run_scoped3A = tpu.sem_alloc : memref<!tpu.dma_semaphore, #tpu.memory_space<semaphore_mem>>
      %dma_start3A_21 = arith.constant 0 : i32
      %dma_start3A_22 = tpu.memref_slice %arg4[%dma_start3A_21] : memref<6704xf32, #tpu.memory_space<vmem>> -> memref<6696xf32, #tpu.memory_space<vmem>>
      %dma_start3A_23 = tpu.memref_slice %arg3[%mul3A_14] : memref<107136xf32, #tpu.memory_space<hbm>> -> memref<6696xf32, #tpu.memory_space<hbm>>
      %dma_start3A_24 = tpu.memref_slice %arg3[%mul3A_14] : memref<107136xf32, #tpu.memory_space<hbm>> -> memref<6696xf32, #tpu.memory_space<hbm>>
      %dma_start3A_25 = arith.constant 0 : i32
      %dma_start3A_26 = tpu.memref_slice %arg4[%dma_start3A_25] : memref<6704xf32, #tpu.memory_space<vmem>> -> memref<6696xf32, #tpu.memory_space<vmem>>
      tpu.enqueue_dma source(%dma_start3A_26 : memref<6696xf32, #tpu.memory_space<vmem>>) target(%dma_start3A_24 : memref<6696xf32, #tpu.memory_space<hbm>>) target_semaphore(%run_scoped3A : memref<!tpu.dma_semaphore, #tpu.memory_space<semaphore_mem>>)
      %dma_wait3A_27 = arith.constant 0 : i32
      %dma_wait3A_28 = tpu.memref_slice %arg4[%dma_wait3A_27] : memref<6704xf32, #tpu.memory_space<vmem>> -> memref<6696xf32, #tpu.memory_space<vmem>>
      %dma_wait3A_29 = tpu.memref_slice %arg3[%mul3A_14] : memref<107136xf32, #tpu.memory_space<hbm>> -> memref<6696xf32, #tpu.memory_space<hbm>>
      %dma_wait3A_30 = tpu.memref_slice %arg3[%mul3A_14] : memref<107136xf32, #tpu.memory_space<hbm>> -> memref<6696xf32, #tpu.memory_space<hbm>>
      %dma_wait3A_31 = arith.constant 0 : i32
      %dma_wait3A_32 = tpu.memref_slice %arg4[%dma_wait3A_31] : memref<6704xf32, #tpu.memory_space<vmem>> -> memref<6696xf32, #tpu.memory_space<vmem>>
      tpu.wait_dma2 semaphore(%run_scoped3A : memref<!tpu.dma_semaphore, #tpu.memory_space<semaphore_mem>>) src(%dma_wait3A_32 : memref<6696xf32, #tpu.memory_space<vmem>>) dst(%dma_wait3A_30 : memref<6696xf32, #tpu.memory_space<hbm>>)
      tpu.yield
    }) : () -> ()
    %barrier3A = arith.constant 0 : index
    tpu.barrier barrier_id(%barrier3A)
    "tpu.region"() ({
      %run_scoped3A = tpu.sem_alloc : memref<!tpu.dma_semaphore, #tpu.memory_space<semaphore_mem>>
      %dma_start3A_21 = arith.constant 0 : i32
      %dma_start3A_22 = tpu.memref_slice %arg2[%arg1, %dma_start3A_21] : memref<16x500xi32, #tpu.memory_space<hbm>> -> memref<1x500xi32, #tpu.memory_space<hbm>>
      %dma_start3A_23 = tpu.memref_squeeze %dma_start3A_22 : memref<1x500xi32, #tpu.memory_space<hbm>> -> memref<500xi32, #tpu.memory_space<hbm>>
      %dma_start3A_24 = arith.constant 0 : i32
      %dma_start3A_25 = tpu.memref_slice %arg2[%arg1, %dma_start3A_24] : memref<16x500xi32, #tpu.memory_space<hbm>> -> memref<1x500xi32, #tpu.memory_space<hbm>>
      %dma_start3A_26 = tpu.memref_squeeze %dma_start3A_25 : memref<1x500xi32, #tpu.memory_space<hbm>> -> memref<500xi32, #tpu.memory_space<hbm>>
      tpu.enqueue_dma source(%dma_start3A_26 : memref<500xi32, #tpu.memory_space<hbm>>) target(%arg5 : memref<500xi32, #tpu.memory_space<vmem>>) target_semaphore(%run_scoped3A : memref<!tpu.dma_semaphore, #tpu.memory_space<semaphore_mem>>)
      %dma_wait3A_27 = arith.constant 0 : i32
      %dma_wait3A_28 = tpu.memref_slice %arg2[%arg1, %dma_wait3A_27] : memref<16x500xi32, #tpu.memory_space<hbm>> -> memref<1x500xi32, #tpu.memory_space<hbm>>
      %dma_wait3A_29 = tpu.memref_squeeze %dma_wait3A_28 : memref<1x500xi32, #tpu.memory_space<hbm>> -> memref<500xi32, #tpu.memory_space<hbm>>
      %dma_wait3A_30 = arith.constant 0 : i32
      %dma_wait3A_31 = tpu.memref_slice %arg2[%arg1, %dma_wait3A_30] : memref<16x500xi32, #tpu.memory_space<hbm>> -> memref<1x500xi32, #tpu.memory_space<hbm>>
      %dma_wait3A_32 = tpu.memref_squeeze %dma_wait3A_31 : memref<1x500xi32, #tpu.memory_space<hbm>> -> memref<500xi32, #tpu.memory_space<hbm>>
      tpu.wait_dma2 semaphore(%run_scoped3A : memref<!tpu.dma_semaphore, #tpu.memory_space<semaphore_mem>>) src(%dma_wait3A_32 : memref<500xi32, #tpu.memory_space<hbm>>) dst(%arg5 : memref<500xi32, #tpu.memory_space<vmem>>)
      tpu.yield
    }) : () -> ()
    %dma_start3A = arith.constant 0 : i32
    %dma_start3A_15 = tpu.memref_slice %arg6[%dma_start3A] : memref<512xf32, #tpu.memory_space<vmem>> -> memref<500xf32, #tpu.memory_space<vmem>>
    %dma_start3A_16 = arith.constant 0 : i32
    %dma_start3A_17 = tpu.memref_slice %arg3[%dma_start3A_16] : memref<107136xf32, #tpu.memory_space<hbm>> -> memref<107136xf32, #tpu.memory_space<hbm>>
    tpu.enqueue_indirect_dma source(%dma_start3A_15 : memref<500xf32, #tpu.memory_space<vmem>>) target(%dma_start3A_17 : memref<107136xf32, #tpu.memory_space<hbm>>) offsets(%arg5 : memref<500xi32, #tpu.memory_space<vmem>>) semaphore(%arg7 : memref<!tpu.dma_semaphore, #tpu.memory_space<semaphore_mem>>)
    %dma_wait3A = arith.constant 0 : i32
    %dma_wait3A_18 = tpu.memref_slice %arg6[%dma_wait3A] : memref<512xf32, #tpu.memory_space<vmem>> -> memref<500xf32, #tpu.memory_space<vmem>>
    %dma_wait3A_19 = arith.constant 0 : i32
    %dma_wait3A_20 = tpu.memref_slice %arg3[%dma_wait3A_19] : memref<107136xf32, #tpu.memory_space<hbm>> -> memref<107136xf32, #tpu.memory_space<hbm>>
    tpu.wait_indirect_dma semaphore(%arg7 : memref<!tpu.dma_semaphore, #tpu.memory_space<semaphore_mem>>) src(%dma_wait3A_18 : memref<500xf32, #tpu.memory_space<vmem>>) dst(%dma_wait3A_20 : memref<107136xf32, #tpu.memory_space<hbm>>)
    return
  }
}

#map = affine_map<(d0, d1) -> (0, 0, 0)>
#map1 = affine_map<(d0, d1) -> (0, 0)>
module attributes {stable_mosaic.version = 14 : i64} {
  func.func @_sc_scatter_body(%arg0: i32, %arg1: i32, %arg2: memref<20x400x128xf32, #tpu.memory_space<hbm>>, %arg3: memref<20x400xi32, #tpu.memory_space<hbm>>, %arg4: memref<107136x128xf32, #tpu.memory_space<hbm>>, %arg5: memref<400xi32, #tpu.memory_space<vmem>>, %arg6: memref<400x128xf32, #tpu.memory_space<vmem>>, %arg7: memref<!tpu.dma_semaphore, #tpu.memory_space<semaphore_mem>>) attributes {dimension_semantics = [#tpu.dimension_semantics<core_parallel>, #tpu.dimension_semantics<subcore_parallel>], iteration_bounds = array<i64: 2, 16>, scalar_prefetch = 0 : i64, scratch_operands = 3 : i64, tpu.core_type = #tpu.core_type<sc_vector_subcore>, window_params = [{transform_indices = #map}, {transform_indices = #map1}, {transform_indices = #map1}]} {
    %mul3A = arith.constant 2 : i32
    %mul3A_0 = arith.muli %arg1, %mul3A : i32
    %add3A = arith.addi %mul3A_0, %arg0 : i32
    %lt3A = arith.constant 20 : i32
    %lt3A_1 = arith.cmpi slt, %add3A, %lt3A : i32
    %convert_element_type3A = arith.extui %lt3A_1 : i1 to i32
    %cond3A = arith.constant 0 : i32
    %cond3A_2 = arith.cmpi ne, %convert_element_type3A, %cond3A : i32
    scf.if %cond3A_2 {
      "tpu.region"() ({
        %run_scoped3A = tpu.sem_alloc : memref<!tpu.dma_semaphore, #tpu.memory_space<semaphore_mem>>
        %dma_start3A_7 = arith.constant 0 : i32
        %dma_start3A_8 = tpu.memref_slice %arg3[%add3A, %dma_start3A_7] : memref<20x400xi32, #tpu.memory_space<hbm>> -> memref<1x400xi32, #tpu.memory_space<hbm>>
        %dma_start3A_9 = tpu.memref_squeeze %dma_start3A_8 : memref<1x400xi32, #tpu.memory_space<hbm>> -> memref<400xi32, #tpu.memory_space<hbm>>
        %dma_start3A_10 = arith.constant 0 : i32
        %dma_start3A_11 = tpu.memref_slice %arg3[%add3A, %dma_start3A_10] : memref<20x400xi32, #tpu.memory_space<hbm>> -> memref<1x400xi32, #tpu.memory_space<hbm>>
        %dma_start3A_12 = tpu.memref_squeeze %dma_start3A_11 : memref<1x400xi32, #tpu.memory_space<hbm>> -> memref<400xi32, #tpu.memory_space<hbm>>
        tpu.enqueue_dma source(%dma_start3A_12 : memref<400xi32, #tpu.memory_space<hbm>>) target(%arg5 : memref<400xi32, #tpu.memory_space<vmem>>) target_semaphore(%run_scoped3A : memref<!tpu.dma_semaphore, #tpu.memory_space<semaphore_mem>>)
        %dma_wait3A_13 = arith.constant 0 : i32
        %dma_wait3A_14 = tpu.memref_slice %arg3[%add3A, %dma_wait3A_13] : memref<20x400xi32, #tpu.memory_space<hbm>> -> memref<1x400xi32, #tpu.memory_space<hbm>>
        %dma_wait3A_15 = tpu.memref_squeeze %dma_wait3A_14 : memref<1x400xi32, #tpu.memory_space<hbm>> -> memref<400xi32, #tpu.memory_space<hbm>>
        %dma_wait3A_16 = arith.constant 0 : i32
        %dma_wait3A_17 = tpu.memref_slice %arg3[%add3A, %dma_wait3A_16] : memref<20x400xi32, #tpu.memory_space<hbm>> -> memref<1x400xi32, #tpu.memory_space<hbm>>
        %dma_wait3A_18 = tpu.memref_squeeze %dma_wait3A_17 : memref<1x400xi32, #tpu.memory_space<hbm>> -> memref<400xi32, #tpu.memory_space<hbm>>
        tpu.wait_dma2 semaphore(%run_scoped3A : memref<!tpu.dma_semaphore, #tpu.memory_space<semaphore_mem>>) src(%dma_wait3A_18 : memref<400xi32, #tpu.memory_space<hbm>>) dst(%arg5 : memref<400xi32, #tpu.memory_space<vmem>>)
        tpu.yield
      }) : () -> ()
      "tpu.region"() ({
        %run_scoped3A = tpu.sem_alloc : memref<!tpu.dma_semaphore, #tpu.memory_space<semaphore_mem>>
        %dma_start3A_7 = arith.constant 0 : i32
        %dma_start3A_8 = arith.constant 0 : i32
        %dma_start3A_9 = tpu.memref_slice %arg2[%add3A, %dma_start3A_7, %dma_start3A_8] : memref<20x400x128xf32, #tpu.memory_space<hbm>> -> memref<1x400x128xf32, #tpu.memory_space<hbm>>
        %dma_start3A_10 = tpu.memref_squeeze %dma_start3A_9 : memref<1x400x128xf32, #tpu.memory_space<hbm>> -> memref<400x128xf32, #tpu.memory_space<hbm>>
        %dma_start3A_11 = arith.constant 0 : i32
        %dma_start3A_12 = arith.constant 0 : i32
        %dma_start3A_13 = tpu.memref_slice %arg2[%add3A, %dma_start3A_11, %dma_start3A_12] : memref<20x400x128xf32, #tpu.memory_space<hbm>> -> memref<1x400x128xf32, #tpu.memory_space<hbm>>
        %dma_start3A_14 = tpu.memref_squeeze %dma_start3A_13 : memref<1x400x128xf32, #tpu.memory_space<hbm>> -> memref<400x128xf32, #tpu.memory_space<hbm>>
        tpu.enqueue_dma source(%dma_start3A_14 : memref<400x128xf32, #tpu.memory_space<hbm>>) target(%arg6 : memref<400x128xf32, #tpu.memory_space<vmem>>) target_semaphore(%run_scoped3A : memref<!tpu.dma_semaphore, #tpu.memory_space<semaphore_mem>>)
        %dma_wait3A_15 = arith.constant 0 : i32
        %dma_wait3A_16 = arith.constant 0 : i32
        %dma_wait3A_17 = tpu.memref_slice %arg2[%add3A, %dma_wait3A_15, %dma_wait3A_16] : memref<20x400x128xf32, #tpu.memory_space<hbm>> -> memref<1x400x128xf32, #tpu.memory_space<hbm>>
        %dma_wait3A_18 = tpu.memref_squeeze %dma_wait3A_17 : memref<1x400x128xf32, #tpu.memory_space<hbm>> -> memref<400x128xf32, #tpu.memory_space<hbm>>
        %dma_wait3A_19 = arith.constant 0 : i32
        %dma_wait3A_20 = arith.constant 0 : i32
        %dma_wait3A_21 = tpu.memref_slice %arg2[%add3A, %dma_wait3A_19, %dma_wait3A_20] : memref<20x400x128xf32, #tpu.memory_space<hbm>> -> memref<1x400x128xf32, #tpu.memory_space<hbm>>
        %dma_wait3A_22 = tpu.memref_squeeze %dma_wait3A_21 : memref<1x400x128xf32, #tpu.memory_space<hbm>> -> memref<400x128xf32, #tpu.memory_space<hbm>>
        tpu.wait_dma2 semaphore(%run_scoped3A : memref<!tpu.dma_semaphore, #tpu.memory_space<semaphore_mem>>) src(%dma_wait3A_22 : memref<400x128xf32, #tpu.memory_space<hbm>>) dst(%arg6 : memref<400x128xf32, #tpu.memory_space<vmem>>)
        tpu.yield
      }) : () -> ()
      %dma_start3A = arith.constant 0 : i32
      %dma_start3A_3 = arith.constant 0 : i32
      %dma_start3A_4 = tpu.memref_slice %arg4[%dma_start3A, %dma_start3A_3] : memref<107136x128xf32, #tpu.memory_space<hbm>> -> memref<107136x128xf32, #tpu.memory_space<hbm>>
      tpu.enqueue_indirect_dma source(%arg6 : memref<400x128xf32, #tpu.memory_space<vmem>>) target(%dma_start3A_4 : memref<107136x128xf32, #tpu.memory_space<hbm>>) offsets(%arg5 : memref<400xi32, #tpu.memory_space<vmem>>) semaphore(%arg7 : memref<!tpu.dma_semaphore, #tpu.memory_space<semaphore_mem>>)
      %dma_wait3A = arith.constant 0 : i32
      %dma_wait3A_5 = arith.constant 0 : i32
      %dma_wait3A_6 = tpu.memref_slice %arg4[%dma_wait3A, %dma_wait3A_5] : memref<107136x128xf32, #tpu.memory_space<hbm>> -> memref<107136x128xf32, #tpu.memory_space<hbm>>
      tpu.wait_indirect_dma semaphore(%arg7 : memref<!tpu.dma_semaphore, #tpu.memory_space<semaphore_mem>>) src(%arg6 : memref<400x128xf32, #tpu.memory_space<vmem>>) dst(%dma_wait3A_6 : memref<107136x128xf32, #tpu.memory_space<hbm>>)
    } else {
    }
    return
  }
}

module attributes {stable_mosaic.version = 14 : i64} {
  func.func @_prep_body(%arg0: i32, %arg1: memref<1x4000x1xf32, #tpu.memory_space<vmem>>, %arg2: memref<1x4000x1xf32, #tpu.memory_space<vmem>>, %arg3: memref<1x4000x64xf32, #tpu.memory_space<vmem>>, %arg4: memref<64xf32, #tpu.memory_space<vmem>>, %arg5: memref<64xf32, #tpu.memory_space<vmem>>, %arg6: memref<64x64xf32, #tpu.memory_space<vmem>>, %arg7: memref<64xf32, #tpu.memory_space<vmem>>, %arg8: memref<64x64xf32, #tpu.memory_space<vmem>>, %arg9: memref<64xf32, #tpu.memory_space<vmem>>, %arg10: memref<64x64xf32, #tpu.memory_space<vmem>>, %arg11: memref<64xf32, #tpu.memory_space<vmem>>, %arg12: memref<1x4000x64xf32, #tpu.memory_space<vmem>>, %arg13: memref<1x4000x64xf32, #tpu.memory_space<vmem>>, %arg14: memref<1x4000x64xf32, #tpu.memory_space<vmem>>, %arg15: memref<1x4000x128xf32, #tpu.memory_space<vmem>>) attributes {dimension_semantics = [#tpu.dimension_semantics<arbitrary>], iteration_bounds = array<i64: 2>, scalar_prefetch = 0 : i64, scratch_operands = 0 : i64, tpu.core_type = #tpu.core_type<tc>, window_params = [{transform_indices = @transform_0, window_bounds = array<i64: 1, 4000, 1>}, {transform_indices = @transform_1, window_bounds = array<i64: 1, 4000, 1>}, {transform_indices = @transform_2, window_bounds = array<i64: 1, 4000, 64>}, {pipeline_mode = #tpu.pipeline_mode<synchronous>, transform_indices = @transform_3, window_bounds = array<i64: 64>}, {pipeline_mode = #tpu.pipeline_mode<synchronous>, transform_indices = @transform_4, window_bounds = array<i64: 64>}, {pipeline_mode = #tpu.pipeline_mode<synchronous>, transform_indices = @transform_5, window_bounds = array<i64: 64, 64>}, {pipeline_mode = #tpu.pipeline_mode<synchronous>, transform_indices = @transform_6, window_bounds = array<i64: 64>}, {pipeline_mode = #tpu.pipeline_mode<synchronous>, transform_indices = @transform_7, window_bounds = array<i64: 64, 64>}, {pipeline_mode = #tpu.pipeline_mode<synchronous>, transform_indices = @transform_8, window_bounds = array<i64: 64>}, {pipeline_mode = #tpu.pipeline_mode<synchronous>, transform_indices = @transform_9, window_bounds = array<i64: 64, 64>}, {pipeline_mode = #tpu.pipeline_mode<synchronous>, transform_indices = @transform_10, window_bounds = array<i64: 64>}, {transform_indices = @transform_11, window_bounds = array<i64: 1, 4000, 64>}, {transform_indices = @transform_12, window_bounds = array<i64: 1, 4000, 64>}, {transform_indices = @transform_13, window_bounds = array<i64: 1, 4000, 64>}, {transform_indices = @transform_14, window_bounds = array<i64: 1, 4000, 128>}]} {
    %iota3A = tpu.iota {dimensions = array<i32: 1>} : vector<1x32xi32>
    %convert_element_type3A = arith.sitofp %iota3A : vector<1x32xi32> to vector<1x32xf32>
    %mul3A = arith.constant -0.287823141 : f32
    %mul3A_0 = vector.broadcast %mul3A : f32 to vector<1x32xf32>
    %mul3A_1 = arith.mulf %convert_element_type3A, %mul3A_0 : vector<1x32xf32>
    %exp3A = math.exp %mul3A_1 : vector<1x32xf32>
    %get3A = arith.constant 0 : index
    %get3A_2 = arith.constant 0 : index
    %get3A_3 = arith.constant 0 : index
    %get3A_4 = vector.load %arg1[%get3A, %get3A_2, %get3A_3] : memref<1x4000x1xf32, #tpu.memory_space<vmem>>, vector<1x4000x1xf32>
    %get3A_5 = vector.shape_cast %get3A_4 : vector<1x4000x1xf32> to vector<4000x1xf32>
    %mul3A_6 = vector.broadcast %get3A_5 : vector<4000x1xf32> to vector<4000x32xf32>
    %mul3A_7 = vector.broadcast %exp3A : vector<1x32xf32> to vector<4000x32xf32>
    %mul3A_8 = arith.mulf %mul3A_6, %mul3A_7 : vector<4000x32xf32>
    %get3A_9 = arith.constant 0 : index
    %get3A_10 = arith.constant 0 : index
    %get3A_11 = arith.constant 0 : index
    %get3A_12 = vector.load %arg2[%get3A_9, %get3A_10, %get3A_11] : memref<1x4000x1xf32, #tpu.memory_space<vmem>>, vector<1x4000x1xf32>
    %get3A_13 = vector.shape_cast %get3A_12 : vector<1x4000x1xf32> to vector<4000x1xf32>
    %mul3A_14 = vector.broadcast %get3A_13 : vector<4000x1xf32> to vector<4000x32xf32>
    %mul3A_15 = vector.broadcast %exp3A : vector<1x32xf32> to vector<4000x32xf32>
    %mul3A_16 = arith.mulf %mul3A_14, %mul3A_15 : vector<4000x32xf32>
    %sub3A = arith.subf %mul3A_8, %mul3A_16 : vector<4000x32xf32>
    %mul3A_17 = arith.mulf %sub3A, %sub3A : vector<4000x32xf32>
    %mul3A_18 = arith.constant 2.08767559E-9 : f32
    %mul3A_19 = vector.broadcast %mul3A_18 : f32 to vector<4000x32xf32>
    %mul3A_20 = arith.mulf %mul3A_19, %mul3A_17 : vector<4000x32xf32>
    %sub3A_21 = arith.constant 2.755732E-7 : f32
    %sub3A_22 = vector.broadcast %sub3A_21 : f32 to vector<4000x32xf32>
    %sub3A_23 = arith.subf %mul3A_20, %sub3A_22 : vector<4000x32xf32>
    %mul3A_24 = arith.mulf %sub3A_23, %mul3A_17 : vector<4000x32xf32>
    %add3A = arith.constant 2.48015876E-5 : f32
    %add3A_25 = vector.broadcast %add3A : f32 to vector<4000x32xf32>
    %add3A_26 = arith.addf %mul3A_24, %add3A_25 : vector<4000x32xf32>
    %mul3A_27 = arith.mulf %add3A_26, %mul3A_17 : vector<4000x32xf32>
    %sub3A_28 = arith.constant 0.00138888892 : f32
    %sub3A_29 = vector.broadcast %sub3A_28 : f32 to vector<4000x32xf32>
    %sub3A_30 = arith.subf %mul3A_27, %sub3A_29 : vector<4000x32xf32>
    %mul3A_31 = arith.mulf %sub3A_30, %mul3A_17 : vector<4000x32xf32>
    %add3A_32 = arith.constant 0.0416666679 : f32
    %add3A_33 = vector.broadcast %add3A_32 : f32 to vector<4000x32xf32>
    %add3A_34 = arith.addf %mul3A_31, %add3A_33 : vector<4000x32xf32>
    %mul3A_35 = arith.mulf %add3A_34, %mul3A_17 : vector<4000x32xf32>
    %sub3A_36 = arith.constant 5.000000e-01 : f32
    %sub3A_37 = vector.broadcast %sub3A_36 : f32 to vector<4000x32xf32>
    %sub3A_38 = arith.subf %mul3A_35, %sub3A_37 : vector<4000x32xf32>
    %mul3A_39 = arith.mulf %sub3A_38, %mul3A_17 : vector<4000x32xf32>
    %add3A_40 = arith.constant 1.000000e+00 : f32
    %add3A_41 = vector.broadcast %add3A_40 : f32 to vector<4000x32xf32>
    %add3A_42 = arith.addf %mul3A_39, %add3A_41 : vector<4000x32xf32>
    %add3A_43 = arith.addf %mul3A_8, %mul3A_16 : vector<4000x32xf32>
    %mul3A_44 = arith.mulf %add3A_43, %add3A_43 : vector<4000x32xf32>
    %mul3A_45 = arith.constant 2.08767559E-9 : f32
    %mul3A_46 = vector.broadcast %mul3A_45 : f32 to vector<4000x32xf32>
    %mul3A_47 = arith.mulf %mul3A_46, %mul3A_44 : vector<4000x32xf32>
    %sub3A_48 = arith.constant 2.755732E-7 : f32
    %sub3A_49 = vector.broadcast %sub3A_48 : f32 to vector<4000x32xf32>
    %sub3A_50 = arith.subf %mul3A_47, %sub3A_49 : vector<4000x32xf32>
    %mul3A_51 = arith.mulf %sub3A_50, %mul3A_44 : vector<4000x32xf32>
    %add3A_52 = arith.constant 2.48015876E-5 : f32
    %add3A_53 = vector.broadcast %add3A_52 : f32 to vector<4000x32xf32>
    %add3A_54 = arith.addf %mul3A_51, %add3A_53 : vector<4000x32xf32>
    %mul3A_55 = arith.mulf %add3A_54, %mul3A_44 : vector<4000x32xf32>
    %sub3A_56 = arith.constant 0.00138888892 : f32
    %sub3A_57 = vector.broadcast %sub3A_56 : f32 to vector<4000x32xf32>
    %sub3A_58 = arith.subf %mul3A_55, %sub3A_57 : vector<4000x32xf32>
    %mul3A_59 = arith.mulf %sub3A_58, %mul3A_44 : vector<4000x32xf32>
    %add3A_60 = arith.constant 0.0416666679 : f32
    %add3A_61 = vector.broadcast %add3A_60 : f32 to vector<4000x32xf32>
    %add3A_62 = arith.addf %mul3A_59, %add3A_61 : vector<4000x32xf32>
    %mul3A_63 = arith.mulf %add3A_62, %mul3A_44 : vector<4000x32xf32>
    %sub3A_64 = arith.constant 5.000000e-01 : f32
    %sub3A_65 = vector.broadcast %sub3A_64 : f32 to vector<4000x32xf32>
    %sub3A_66 = arith.subf %mul3A_63, %sub3A_65 : vector<4000x32xf32>
    %mul3A_67 = arith.mulf %sub3A_66, %mul3A_44 : vector<4000x32xf32>
    %add3A_68 = arith.constant 1.000000e+00 : f32
    %add3A_69 = vector.broadcast %add3A_68 : f32 to vector<4000x32xf32>
    %add3A_70 = arith.addf %mul3A_67, %add3A_69 : vector<4000x32xf32>
    %add3A_71 = arith.addf %add3A_42, %add3A_70 : vector<4000x32xf32>
    %mul3A_72 = arith.constant 5.000000e-01 : f32
    %mul3A_73 = vector.broadcast %mul3A_72 : f32 to vector<4000x32xf32>
    %mul3A_74 = arith.mulf %mul3A_73, %add3A_71 : vector<4000x32xf32>
    %sub3A_75 = arith.subf %add3A_42, %add3A_70 : vector<4000x32xf32>
    %mul3A_76 = arith.constant 5.000000e-01 : f32
    %mul3A_77 = vector.broadcast %mul3A_76 : f32 to vector<4000x32xf32>
    %mul3A_78 = arith.mulf %mul3A_77, %sub3A_75 : vector<4000x32xf32>
    %get3A_79 = arith.constant 0 : index
    %get3A_80 = arith.constant 0 : index
    %get3A_81 = arith.constant 0 : index
    %get3A_82 = vector.load %arg3[%get3A_79, %get3A_80, %get3A_81] : memref<1x4000x64xf32, #tpu.memory_space<vmem>>, vector<1x4000x64xf32>
    %get3A_83 = vector.shape_cast %get3A_82 : vector<1x4000x64xf32> to vector<4000x64xf32>
    %slice3A = vector.extract_strided_slice %get3A_83 {offsets = [0, 0], sizes = [4000, 32], strides = [1, 1]} : vector<4000x64xf32> to vector<4000x32xf32>
    %slice3A_84 = vector.extract_strided_slice %get3A_83 {offsets = [0, 32], sizes = [4000, 32], strides = [1, 1]} : vector<4000x64xf32> to vector<4000x32xf32>
    %mul3A_85 = arith.mulf %slice3A, %mul3A_74 : vector<4000x32xf32>
    %add3A_86 = arith.addf %slice3A, %mul3A_85 : vector<4000x32xf32>
    %mul3A_87 = arith.mulf %slice3A_84, %mul3A_78 : vector<4000x32xf32>
    %sub3A_88 = arith.subf %add3A_86, %mul3A_87 : vector<4000x32xf32>
    %mul3A_89 = arith.mulf %slice3A, %mul3A_78 : vector<4000x32xf32>
    %add3A_90 = arith.addf %slice3A_84, %mul3A_89 : vector<4000x32xf32>
    %mul3A_91 = arith.mulf %slice3A_84, %mul3A_74 : vector<4000x32xf32>
    %add3A_92 = arith.addf %add3A_90, %mul3A_91 : vector<4000x32xf32>
    %concatenate3A = tpu.concatenate %sub3A_88, %add3A_92 in 1 : vector<4000x32xf32>, vector<4000x32xf32> -> vector<4000x64xf32>
    %reduce_sum3A = arith.constant dense<0.000000e+00> : vector<4000xf32>
    %reduce_sum3A_93 = vector.multi_reduction <add>, %concatenate3A, %reduce_sum3A [1] : vector<4000x64xf32> to vector<4000xf32>
    %broadcast_in_dim3A = vector.shape_cast %reduce_sum3A_93 : vector<4000xf32> to vector<4000x1xf32>
    %div3A = arith.constant 6.400000e+01 : f32
    %div3A_94 = vector.broadcast %div3A : f32 to vector<4000x1xf32>
    %div3A_95 = arith.divf %broadcast_in_dim3A, %div3A_94 : vector<4000x1xf32>
    %sub3A_96 = vector.broadcast %div3A_95 : vector<4000x1xf32> to vector<4000x64xf32>
    %sub3A_97 = arith.subf %concatenate3A, %sub3A_96 : vector<4000x64xf32>
    %mul3A_98 = arith.mulf %sub3A_97, %sub3A_97 : vector<4000x64xf32>
    %reduce_sum3A_99 = arith.constant dense<0.000000e+00> : vector<4000xf32>
    %reduce_sum3A_100 = vector.multi_reduction <add>, %mul3A_98, %reduce_sum3A_99 [1] : vector<4000x64xf32> to vector<4000xf32>
    %broadcast_in_dim3A_101 = vector.shape_cast %reduce_sum3A_100 : vector<4000xf32> to vector<4000x1xf32>
    %div3A_102 = arith.constant 6.400000e+01 : f32
    %div3A_103 = vector.broadcast %div3A_102 : f32 to vector<4000x1xf32>
    %div3A_104 = arith.divf %broadcast_in_dim3A_101, %div3A_103 : vector<4000x1xf32>
    %add3A_105 = arith.constant 9.99999974E-6 : f32
    %add3A_106 = vector.broadcast %add3A_105 : f32 to vector<4000x1xf32>
    %add3A_107 = arith.addf %div3A_104, %add3A_106 : vector<4000x1xf32>
    %rsqrt3A = math.rsqrt %add3A_107 : vector<4000x1xf32>
    %mul3A_108 = vector.broadcast %rsqrt3A : vector<4000x1xf32> to vector<4000x64xf32>
    %mul3A_109 = arith.mulf %sub3A_97, %mul3A_108 : vector<4000x64xf32>
    %get3A_110 = arith.constant 0 : index
    %get3A_111 = vector.load %arg4[%get3A_110] : memref<64xf32, #tpu.memory_space<vmem>>, vector<64xf32>
    %broadcast_in_dim3A_112 = vector.shape_cast %get3A_111 : vector<64xf32> to vector<1x64xf32>
    %mul3A_113 = vector.broadcast %broadcast_in_dim3A_112 : vector<1x64xf32> to vector<4000x64xf32>
    %mul3A_114 = arith.mulf %mul3A_109, %mul3A_113 : vector<4000x64xf32>
    %get3A_115 = arith.constant 0 : index
    %get3A_116 = vector.load %arg5[%get3A_115] : memref<64xf32, #tpu.memory_space<vmem>>, vector<64xf32>
    %broadcast_in_dim3A_117 = vector.shape_cast %get3A_116 : vector<64xf32> to vector<1x64xf32>
    %add3A_118 = vector.broadcast %broadcast_in_dim3A_117 : vector<1x64xf32> to vector<4000x64xf32>
    %add3A_119 = arith.addf %mul3A_114, %add3A_118 : vector<4000x64xf32>
    %swap3A = arith.constant 0 : index
    %swap3A_120 = arith.constant 0 : index
    %swap3A_121 = arith.constant 0 : index
    %swap3A_122 = vector.load %arg12[%swap3A, %swap3A_120, %swap3A_121] : memref<1x4000x64xf32, #tpu.memory_space<vmem>>, vector<1x4000x64xf32>
    %swap3A_123 = vector.shape_cast %swap3A_122 : vector<1x4000x64xf32> to vector<4000x64xf32>
    %swap3A_124 = vector.shape_cast %concatenate3A : vector<4000x64xf32> to vector<1x4000x64xf32>
    tpu.vector_store %arg12[%swap3A, %swap3A_120, %swap3A_121], %swap3A_124 {strides = array<i32>} : memref<1x4000x64xf32, #tpu.memory_space<vmem>>, vector<1x4000x64xf32>,
    %get3A_125 = arith.constant 0 : index
    %get3A_126 = arith.constant 0 : index
    %get3A_127 = vector.load %arg6[%get3A_125, %get3A_126] : memref<64x64xf32, #tpu.memory_space<vmem>>, vector<64x64xf32>
    %dot_general3A = arith.constant dense<0.000000e+00> : vector<4000x64xf32>
    %dot_general3A_128 = tpu.matmul %add3A_119, %get3A_127, %dot_general3A {dimension_numbers = #tpu.dot_dimension_numbers<[1], [0], [0], [1], [0, 0, 1, 1], [], []>, transpose_lhs_hint = false} : vector<4000x64xf32>, vector<64x64xf32>, vector<4000x64xf32> -> vector<4000x64xf32>
    %get3A_129 = arith.constant 0 : index
    %get3A_130 = vector.load %arg7[%get3A_129] : memref<64xf32, #tpu.memory_space<vmem>>, vector<64xf32>
    %broadcast_in_dim3A_131 = vector.shape_cast %get3A_130 : vector<64xf32> to vector<1x64xf32>
    %add3A_132 = vector.broadcast %broadcast_in_dim3A_131 : vector<1x64xf32> to vector<4000x64xf32>
    %add3A_133 = arith.addf %dot_general3A_128, %add3A_132 : vector<4000x64xf32>
    %swap3A_134 = arith.constant 0 : index
    %swap3A_135 = arith.constant 0 : index
    %swap3A_136 = arith.constant 0 : index
    %swap3A_137 = vector.load %arg13[%swap3A_134, %swap3A_135, %swap3A_136] : memref<1x4000x64xf32, #tpu.memory_space<vmem>>, vector<1x4000x64xf32>
    %swap3A_138 = vector.shape_cast %swap3A_137 : vector<1x4000x64xf32> to vector<4000x64xf32>
    %swap3A_139 = vector.shape_cast %add3A_133 : vector<4000x64xf32> to vector<1x4000x64xf32>
    tpu.vector_store %arg13[%swap3A_134, %swap3A_135, %swap3A_136], %swap3A_139 {strides = array<i32>} : memref<1x4000x64xf32, #tpu.memory_space<vmem>>, vector<1x4000x64xf32>,
    %get3A_140 = arith.constant 0 : index
    %get3A_141 = arith.constant 0 : index
    %get3A_142 = vector.load %arg8[%get3A_140, %get3A_141] : memref<64x64xf32, #tpu.memory_space<vmem>>, vector<64x64xf32>
    %dot_general3A_143 = arith.constant dense<0.000000e+00> : vector<4000x64xf32>
    %dot_general3A_144 = tpu.matmul %add3A_119, %get3A_142, %dot_general3A_143 {dimension_numbers = #tpu.dot_dimension_numbers<[1], [0], [0], [1], [0, 0, 1, 1], [], []>, transpose_lhs_hint = false} : vector<4000x64xf32>, vector<64x64xf32>, vector<4000x64xf32> -> vector<4000x64xf32>
    %get3A_145 = arith.constant 0 : index
    %get3A_146 = vector.load %arg9[%get3A_145] : memref<64xf32, #tpu.memory_space<vmem>>, vector<64xf32>
    %broadcast_in_dim3A_147 = vector.shape_cast %get3A_146 : vector<64xf32> to vector<1x64xf32>
    %add3A_148 = vector.broadcast %broadcast_in_dim3A_147 : vector<1x64xf32> to vector<4000x64xf32>
    %add3A_149 = arith.addf %dot_general3A_144, %add3A_148 : vector<4000x64xf32>
    %swap3A_150 = arith.constant 0 : index
    %swap3A_151 = arith.constant 0 : index
    %swap3A_152 = arith.constant 0 : index
    %swap3A_153 = vector.load %arg14[%swap3A_150, %swap3A_151, %swap3A_152] : memref<1x4000x64xf32, #tpu.memory_space<vmem>>, vector<1x4000x64xf32>
    %swap3A_154 = vector.shape_cast %swap3A_153 : vector<1x4000x64xf32> to vector<4000x64xf32>
    %swap3A_155 = vector.shape_cast %add3A_149 : vector<4000x64xf32> to vector<1x4000x64xf32>
    tpu.vector_store %arg14[%swap3A_150, %swap3A_151, %swap3A_152], %swap3A_155 {strides = array<i32>} : memref<1x4000x64xf32, #tpu.memory_space<vmem>>, vector<1x4000x64xf32>,
    %get3A_156 = arith.constant 0 : index
    %get3A_157 = arith.constant 0 : index
    %get3A_158 = vector.load %arg10[%get3A_156, %get3A_157] : memref<64x64xf32, #tpu.memory_space<vmem>>, vector<64x64xf32>
    %dot_general3A_159 = arith.constant dense<0.000000e+00> : vector<4000x64xf32>
    %dot_general3A_160 = tpu.matmul %add3A_119, %get3A_158, %dot_general3A_159 {dimension_numbers = #tpu.dot_dimension_numbers<[1], [0], [0], [1], [0, 0, 1, 1], [], []>, transpose_lhs_hint = false} : vector<4000x64xf32>, vector<64x64xf32>, vector<4000x64xf32> -> vector<4000x64xf32>
    %get3A_161 = arith.constant 0 : index
    %get3A_162 = vector.load %arg11[%get3A_161] : memref<64xf32, #tpu.memory_space<vmem>>, vector<64xf32>
    %broadcast_in_dim3A_163 = vector.shape_cast %get3A_162 : vector<64xf32> to vector<1x64xf32>
    %add3A_164 = vector.broadcast %broadcast_in_dim3A_163 : vector<1x64xf32> to vector<4000x64xf32>
    %add3A_165 = arith.addf %dot_general3A_160, %add3A_164 : vector<4000x64xf32>
    %broadcast_in_dim3A_166 = arith.constant 1.000000e+00 : f32
    %broadcast_in_dim3A_167 = vector.broadcast %broadcast_in_dim3A_166 : f32 to vector<4000x1xf32>
    %broadcast_in_dim3A_168 = arith.constant 0.000000e+00 : f32
    %broadcast_in_dim3A_169 = vector.broadcast %broadcast_in_dim3A_168 : f32 to vector<4000x63xf32>
    %concatenate3A_170 = tpu.concatenate %add3A_165, %broadcast_in_dim3A_167, %broadcast_in_dim3A_169 in 1 : vector<4000x64xf32>, vector<4000x1xf32>, vector<4000x63xf32> -> vector<4000x128xf32>
    %swap3A_171 = arith.constant 0 : index
    %swap3A_172 = arith.constant 0 : index
    %swap3A_173 = arith.constant 0 : index
    %swap3A_174 = vector.load %arg15[%swap3A_171, %swap3A_172, %swap3A_173] : memref<1x4000x128xf32, #tpu.memory_space<vmem>>, vector<1x4000x128xf32>
    %swap3A_175 = vector.shape_cast %swap3A_174 : vector<1x4000x128xf32> to vector<4000x128xf32>
    %swap3A_176 = vector.shape_cast %concatenate3A_170 : vector<4000x128xf32> to vector<1x4000x128xf32>
    tpu.vector_store %arg15[%swap3A_171, %swap3A_172, %swap3A_173], %swap3A_176 {strides = array<i32>} : memref<1x4000x128xf32, #tpu.memory_space<vmem>>, vector<1x4000x128xf32>,
    return
  }
  func.func @transform_0(%arg0: i32) -> (i32, i32, i32) {
    %c0_i32 = arith.constant 0 : i32
    %c0_i32_0 = arith.constant 0 : i32
    %c0_i32_1 = arith.constant 0 : i32
    return %arg0, %c0_i32, %c0_i32_0 : i32, i32, i32
  }
  func.func @transform_1(%arg0: i32) -> (i32, i32, i32) {
    %c0_i32 = arith.constant 0 : i32
    %c0_i32_0 = arith.constant 0 : i32
    %c0_i32_1 = arith.constant 0 : i32
    return %arg0, %c0_i32, %c0_i32_0 : i32, i32, i32
  }
  func.func @transform_2(%arg0: i32) -> (i32, i32, i32) {
    %c0_i32 = arith.constant 0 : i32
    %c0_i32_0 = arith.constant 0 : i32
    %c0_i32_1 = arith.constant 0 : i32
    return %arg0, %c0_i32, %c0_i32_0 : i32, i32, i32
  }
  func.func @transform_3(%arg0: i32) -> i32 {
    %c0_i32 = arith.constant 0 : i32
    %c0_i32_0 = arith.constant 0 : i32
    return %c0_i32 : i32
  }
  func.func @transform_4(%arg0: i32) -> i32 {
    %c0_i32 = arith.constant 0 : i32
    %c0_i32_0 = arith.constant 0 : i32
    return %c0_i32 : i32
  }
  func.func @transform_5(%arg0: i32) -> (i32, i32) {
    %c0_i32 = arith.constant 0 : i32
    %c0_i32_0 = arith.constant 0 : i32
    %c0_i32_1 = arith.constant 0 : i32
    return %c0_i32, %c0_i32_0 : i32, i32
  }
  func.func @transform_6(%arg0: i32) -> i32 {
    %c0_i32 = arith.constant 0 : i32
    %c0_i32_0 = arith.constant 0 : i32
    return %c0_i32 : i32
  }
  func.func @transform_7(%arg0: i32) -> (i32, i32) {
    %c0_i32 = arith.constant 0 : i32
    %c0_i32_0 = arith.constant 0 : i32
    %c0_i32_1 = arith.constant 0 : i32
    return %c0_i32, %c0_i32_0 : i32, i32
  }
  func.func @transform_8(%arg0: i32) -> i32 {
    %c0_i32 = arith.constant 0 : i32
    %c0_i32_0 = arith.constant 0 : i32
    return %c0_i32 : i32
  }
  func.func @transform_9(%arg0: i32) -> (i32, i32) {
    %c0_i32 = arith.constant 0 : i32
    %c0_i32_0 = arith.constant 0 : i32
    %c0_i32_1 = arith.constant 0 : i32
    return %c0_i32, %c0_i32_0 : i32, i32
  }
  func.func @transform_10(%arg0: i32) -> i32 {
    %c0_i32 = arith.constant 0 : i32
    %c0_i32_0 = arith.constant 0 : i32
    return %c0_i32 : i32
  }
  func.func @transform_11(%arg0: i32) -> (i32, i32, i32) {
    %c0_i32 = arith.constant 0 : i32
    %c0_i32_0 = arith.constant 0 : i32
    %c0_i32_1 = arith.constant 0 : i32
    return %arg0, %c0_i32, %c0_i32_0 : i32, i32, i32
  }
  func.func @transform_12(%arg0: i32) -> (i32, i32, i32) {
    %c0_i32 = arith.constant 0 : i32
    %c0_i32_0 = arith.constant 0 : i32
    %c0_i32_1 = arith.constant 0 : i32
    return %arg0, %c0_i32, %c0_i32_0 : i32, i32, i32
  }
  func.func @transform_13(%arg0: i32) -> (i32, i32, i32) {
    %c0_i32 = arith.constant 0 : i32
    %c0_i32_0 = arith.constant 0 : i32
    %c0_i32_1 = arith.constant 0 : i32
    return %arg0, %c0_i32, %c0_i32_0 : i32, i32, i32
  }
  func.func @transform_14(%arg0: i32) -> (i32, i32, i32) {
    %c0_i32 = arith.constant 0 : i32
    %c0_i32_0 = arith.constant 0 : i32
    %c0_i32_1 = arith.constant 0 : i32
    return %arg0, %c0_i32, %c0_i32_0 : i32, i32, i32
  }
}

module attributes {stable_mosaic.version = 14 : i64} {
  func.func @_att_body(%arg0: i32, %arg1: i32, %arg2: memref<1x1000x64xf32, #tpu.memory_space<vmem>>, %arg3: memref<1x1000x64xf32, #tpu.memory_space<vmem>>, %arg4: memref<1x4000x64xf32, #tpu.memory_space<vmem>>, %arg5: memref<1x4000x128xf32, #tpu.memory_space<vmem>>, %arg6: memref<64xf32, #tpu.memory_space<vmem>>, %arg7: memref<64xf32, #tpu.memory_space<vmem>>, %arg8: memref<64x64xf32, #tpu.memory_space<vmem>>, %arg9: memref<64xf32, #tpu.memory_space<vmem>>, %arg10: memref<64x64xf32, #tpu.memory_space<vmem>>, %arg11: memref<64xf32, #tpu.memory_space<vmem>>, %arg12: memref<1x1000x128xf32, #tpu.memory_space<vmem>>) attributes {dimension_semantics = [#tpu.dimension_semantics<arbitrary>, #tpu.dimension_semantics<arbitrary>], iteration_bounds = array<i64: 2, 4>, scalar_prefetch = 0 : i64, scratch_operands = 0 : i64, tpu.core_type = #tpu.core_type<tc>, window_params = [{transform_indices = @transform_0, window_bounds = array<i64: 1, 1000, 64>}, {transform_indices = @transform_1, window_bounds = array<i64: 1, 1000, 64>}, {transform_indices = @transform_2, window_bounds = array<i64: 1, 4000, 64>}, {transform_indices = @transform_3, window_bounds = array<i64: 1, 4000, 128>}, {pipeline_mode = #tpu.pipeline_mode<synchronous>, transform_indices = @transform_4, window_bounds = array<i64: 64>}, {pipeline_mode = #tpu.pipeline_mode<synchronous>, transform_indices = @transform_5, window_bounds = array<i64: 64>}, {pipeline_mode = #tpu.pipeline_mode<synchronous>, transform_indices = @transform_6, window_bounds = array<i64: 64, 64>}, {pipeline_mode = #tpu.pipeline_mode<synchronous>, transform_indices = @transform_7, window_bounds = array<i64: 64>}, {pipeline_mode = #tpu.pipeline_mode<synchronous>, transform_indices = @transform_8, window_bounds = array<i64: 64, 64>}, {pipeline_mode = #tpu.pipeline_mode<synchronous>, transform_indices = @transform_9, window_bounds = array<i64: 64>}, {transform_indices = @transform_10, window_bounds = array<i64: 1, 1000, 128>}]} {
    %get3A = arith.constant 0 : index
    %get3A_0 = arith.constant 0 : index
    %get3A_1 = arith.constant 0 : index
    %get3A_2 = vector.load %arg2[%get3A, %get3A_0, %get3A_1] : memref<1x1000x64xf32, #tpu.memory_space<vmem>>, vector<1x1000x64xf32>
    %get3A_3 = vector.shape_cast %get3A_2 : vector<1x1000x64xf32> to vector<1000x64xf32>
    %get3A_4 = arith.constant 0 : index
    %get3A_5 = arith.constant 0 : index
    %get3A_6 = arith.constant 0 : index
    %get3A_7 = vector.load %arg4[%get3A_4, %get3A_5, %get3A_6] : memref<1x4000x64xf32, #tpu.memory_space<vmem>>, vector<1x4000x64xf32>
    %get3A_8 = vector.shape_cast %get3A_7 : vector<1x4000x64xf32> to vector<4000x64xf32>
    %dot_general3A = arith.constant dense<0.000000e+00> : vector<1000x4000xf32>
    %dot_general3A_9 = tpu.matmul %get3A_3, %get3A_8, %dot_general3A {dimension_numbers = #tpu.dot_dimension_numbers<[1], [1], [0], [0], [0, 0, 1, 0], [], []>, transpose_lhs_hint = false} : vector<1000x64xf32>, vector<4000x64xf32>, vector<1000x4000xf32> -> vector<1000x4000xf32>
    %exp3A = math.exp %dot_general3A_9 : vector<1000x4000xf32>
    %get3A_10 = arith.constant 0 : index
    %get3A_11 = arith.constant 0 : index
    %get3A_12 = arith.constant 0 : index
    %get3A_13 = vector.load %arg5[%get3A_10, %get3A_11, %get3A_12] : memref<1x4000x128xf32, #tpu.memory_space<vmem>>, vector<1x4000x128xf32>
    %get3A_14 = vector.shape_cast %get3A_13 : vector<1x4000x128xf32> to vector<4000x128xf32>
    %dot_general3A_15 = arith.constant dense<0.000000e+00> : vector<1000x128xf32>
    %dot_general3A_16 = tpu.matmul %exp3A, %get3A_14, %dot_general3A_15 {dimension_numbers = #tpu.dot_dimension_numbers<[1], [0], [0], [1], [0, 0, 1, 1], [], []>, transpose_lhs_hint = false} : vector<1000x4000xf32>, vector<4000x128xf32>, vector<1000x128xf32> -> vector<1000x128xf32>
    %slice3A = vector.extract_strided_slice %dot_general3A_16 {offsets = [0, 0], sizes = [1000, 64], strides = [1, 1]} : vector<1000x128xf32> to vector<1000x64xf32>
    %slice3A_17 = vector.extract_strided_slice %dot_general3A_16 {offsets = [0, 64], sizes = [1000, 1], strides = [1, 1]} : vector<1000x128xf32> to vector<1000x1xf32>
    %div3A = vector.broadcast %slice3A_17 : vector<1000x1xf32> to vector<1000x64xf32>
    %div3A_18 = arith.divf %slice3A, %div3A : vector<1000x64xf32>
    %get3A_19 = arith.constant 0 : index
    %get3A_20 = arith.constant 0 : index
    %get3A_21 = arith.constant 0 : index
    %get3A_22 = vector.load %arg3[%get3A_19, %get3A_20, %get3A_21] : memref<1x1000x64xf32, #tpu.memory_space<vmem>>, vector<1x1000x64xf32>
    %get3A_23 = vector.shape_cast %get3A_22 : vector<1x1000x64xf32> to vector<1000x64xf32>
    %add3A = arith.addf %div3A_18, %get3A_23 : vector<1000x64xf32>
    %reduce_sum3A = arith.constant dense<0.000000e+00> : vector<1000xf32>
    %reduce_sum3A_24 = vector.multi_reduction <add>, %add3A, %reduce_sum3A [1] : vector<1000x64xf32> to vector<1000xf32>
    %broadcast_in_dim3A = vector.shape_cast %reduce_sum3A_24 : vector<1000xf32> to vector<1000x1xf32>
    %div3A_25 = arith.constant 6.400000e+01 : f32
    %div3A_26 = vector.broadcast %div3A_25 : f32 to vector<1000x1xf32>
    %div3A_27 = arith.divf %broadcast_in_dim3A, %div3A_26 : vector<1000x1xf32>
    %sub3A = vector.broadcast %div3A_27 : vector<1000x1xf32> to vector<1000x64xf32>
    %sub3A_28 = arith.subf %add3A, %sub3A : vector<1000x64xf32>
    %mul3A = arith.mulf %sub3A_28, %sub3A_28 : vector<1000x64xf32>
    %reduce_sum3A_29 = arith.constant dense<0.000000e+00> : vector<1000xf32>
    %reduce_sum3A_30 = vector.multi_reduction <add>, %mul3A, %reduce_sum3A_29 [1] : vector<1000x64xf32> to vector<1000xf32>
    %broadcast_in_dim3A_31 = vector.shape_cast %reduce_sum3A_30 : vector<1000xf32> to vector<1000x1xf32>
    %div3A_32 = arith.constant 6.400000e+01 : f32
    %div3A_33 = vector.broadcast %div3A_32 : f32 to vector<1000x1xf32>
    %div3A_34 = arith.divf %broadcast_in_dim3A_31, %div3A_33 : vector<1000x1xf32>
    %add3A_35 = arith.constant 9.99999974E-6 : f32
    %add3A_36 = vector.broadcast %add3A_35 : f32 to vector<1000x1xf32>
    %add3A_37 = arith.addf %div3A_34, %add3A_36 : vector<1000x1xf32>
    %rsqrt3A = math.rsqrt %add3A_37 : vector<1000x1xf32>
    %mul3A_38 = vector.broadcast %rsqrt3A : vector<1000x1xf32> to vector<1000x64xf32>
    %mul3A_39 = arith.mulf %sub3A_28, %mul3A_38 : vector<1000x64xf32>
    %get3A_40 = arith.constant 0 : index
    %get3A_41 = vector.load %arg6[%get3A_40] : memref<64xf32, #tpu.memory_space<vmem>>, vector<64xf32>
    %broadcast_in_dim3A_42 = vector.shape_cast %get3A_41 : vector<64xf32> to vector<1x64xf32>
    %mul3A_43 = vector.broadcast %broadcast_in_dim3A_42 : vector<1x64xf32> to vector<1000x64xf32>
    %mul3A_44 = arith.mulf %mul3A_39, %mul3A_43 : vector<1000x64xf32>
    %get3A_45 = arith.constant 0 : index
    %get3A_46 = vector.load %arg7[%get3A_45] : memref<64xf32, #tpu.memory_space<vmem>>, vector<64xf32>
    %broadcast_in_dim3A_47 = vector.shape_cast %get3A_46 : vector<64xf32> to vector<1x64xf32>
    %add3A_48 = vector.broadcast %broadcast_in_dim3A_47 : vector<1x64xf32> to vector<1000x64xf32>
    %add3A_49 = arith.addf %mul3A_44, %add3A_48 : vector<1000x64xf32>
    %get3A_50 = arith.constant 0 : index
    %get3A_51 = arith.constant 0 : index
    %get3A_52 = vector.load %arg8[%get3A_50, %get3A_51] : memref<64x64xf32, #tpu.memory_space<vmem>>, vector<64x64xf32>
    %dot_general3A_53 = arith.constant dense<0.000000e+00> : vector<1000x64xf32>
    %dot_general3A_54 = tpu.matmul %add3A_49, %get3A_52, %dot_general3A_53 {dimension_numbers = #tpu.dot_dimension_numbers<[1], [0], [0], [1], [0, 0, 1, 1], [], []>, transpose_lhs_hint = false} : vector<1000x64xf32>, vector<64x64xf32>, vector<1000x64xf32> -> vector<1000x64xf32>
    %get3A_55 = arith.constant 0 : index
    %get3A_56 = vector.load %arg9[%get3A_55] : memref<64xf32, #tpu.memory_space<vmem>>, vector<64xf32>
    %broadcast_in_dim3A_57 = vector.shape_cast %get3A_56 : vector<64xf32> to vector<1x64xf32>
    %add3A_58 = vector.broadcast %broadcast_in_dim3A_57 : vector<1x64xf32> to vector<1000x64xf32>
    %add3A_59 = arith.addf %dot_general3A_54, %add3A_58 : vector<1000x64xf32>
    %mul3A_60 = arith.constant 5.000000e-01 : f32
    %mul3A_61 = vector.broadcast %mul3A_60 : f32 to vector<1000x64xf32>
    %mul3A_62 = arith.mulf %add3A_59, %mul3A_61 : vector<1000x64xf32>
    %mul3A_63 = arith.constant 0.707106769 : f32
    %mul3A_64 = vector.broadcast %mul3A_63 : f32 to vector<1000x64xf32>
    %mul3A_65 = arith.mulf %add3A_59, %mul3A_64 : vector<1000x64xf32>
    %erf3A = math.erf %mul3A_65 : vector<1000x64xf32>
    %add3A_66 = arith.constant 1.000000e+00 : f32
    %add3A_67 = vector.broadcast %add3A_66 : f32 to vector<1000x64xf32>
    %add3A_68 = arith.addf %add3A_67, %erf3A : vector<1000x64xf32>
    %mul3A_69 = arith.mulf %mul3A_62, %add3A_68 : vector<1000x64xf32>
    %get3A_70 = arith.constant 0 : index
    %get3A_71 = arith.constant 0 : index
    %get3A_72 = vector.load %arg10[%get3A_70, %get3A_71] : memref<64x64xf32, #tpu.memory_space<vmem>>, vector<64x64xf32>
    %dot_general3A_73 = arith.constant dense<0.000000e+00> : vector<1000x64xf32>
    %dot_general3A_74 = tpu.matmul %mul3A_69, %get3A_72, %dot_general3A_73 {dimension_numbers = #tpu.dot_dimension_numbers<[1], [0], [0], [1], [0, 0, 1, 1], [], []>, transpose_lhs_hint = false} : vector<1000x64xf32>, vector<64x64xf32>, vector<1000x64xf32> -> vector<1000x64xf32>
    %get3A_75 = arith.constant 0 : index
    %get3A_76 = vector.load %arg11[%get3A_75] : memref<64xf32, #tpu.memory_space<vmem>>, vector<64xf32>
    %broadcast_in_dim3A_77 = vector.shape_cast %get3A_76 : vector<64xf32> to vector<1x64xf32>
    %add3A_78 = vector.broadcast %broadcast_in_dim3A_77 : vector<1x64xf32> to vector<1000x64xf32>
    %add3A_79 = arith.addf %dot_general3A_74, %add3A_78 : vector<1000x64xf32>
    %add3A_80 = arith.addf %add3A_79, %add3A : vector<1000x64xf32>
    %broadcast_in_dim3A_81 = arith.constant 0.000000e+00 : f32
    %broadcast_in_dim3A_82 = vector.broadcast %broadcast_in_dim3A_81 : f32 to vector<1000x64xf32>
    %concatenate3A = tpu.concatenate %add3A_80, %broadcast_in_dim3A_82 in 1 : vector<1000x64xf32>, vector<1000x64xf32> -> vector<1000x128xf32>
    %swap3A = arith.constant 0 : index
    %swap3A_83 = arith.constant 0 : index
    %swap3A_84 = arith.constant 0 : index
    %swap3A_85 = vector.load %arg12[%swap3A, %swap3A_83, %swap3A_84] : memref<1x1000x128xf32, #tpu.memory_space<vmem>>, vector<1x1000x128xf32>
    %swap3A_86 = vector.shape_cast %swap3A_85 : vector<1x1000x128xf32> to vector<1000x128xf32>
    %swap3A_87 = vector.shape_cast %concatenate3A : vector<1000x128xf32> to vector<1x1000x128xf32>
    tpu.vector_store %arg12[%swap3A, %swap3A_83, %swap3A_84], %swap3A_87 {strides = array<i32>} : memref<1x1000x128xf32, #tpu.memory_space<vmem>>, vector<1x1000x128xf32>,
    return
  }
  func.func @transform_0(%arg0: i32, %arg1: i32) -> (i32, i32, i32) {
    %c0_i32 = arith.constant 0 : i32
    %c0_i32_0 = arith.constant 0 : i32
    return %arg0, %arg1, %c0_i32 : i32, i32, i32
  }
  func.func @transform_1(%arg0: i32, %arg1: i32) -> (i32, i32, i32) {
    %c0_i32 = arith.constant 0 : i32
    %c0_i32_0 = arith.constant 0 : i32
    return %arg0, %arg1, %c0_i32 : i32, i32, i32
  }
  func.func @transform_2(%arg0: i32, %arg1: i32) -> (i32, i32, i32) {
    %c0_i32 = arith.constant 0 : i32
    %c0_i32_0 = arith.constant 0 : i32
    %c0_i32_1 = arith.constant 0 : i32
    return %arg0, %c0_i32, %c0_i32_0 : i32, i32, i32
  }
  func.func @transform_3(%arg0: i32, %arg1: i32) -> (i32, i32, i32) {
    %c0_i32 = arith.constant 0 : i32
    %c0_i32_0 = arith.constant 0 : i32
    %c0_i32_1 = arith.constant 0 : i32
    return %arg0, %c0_i32, %c0_i32_0 : i32, i32, i32
  }
  func.func @transform_4(%arg0: i32, %arg1: i32) -> i32 {
    %c0_i32 = arith.constant 0 : i32
    %c0_i32_0 = arith.constant 0 : i32
    return %c0_i32 : i32
  }
  func.func @transform_5(%arg0: i32, %arg1: i32) -> i32 {
    %c0_i32 = arith.constant 0 : i32
    %c0_i32_0 = arith.constant 0 : i32
    return %c0_i32 : i32
  }
  func.func @transform_6(%arg0: i32, %arg1: i32) -> (i32, i32) {
    %c0_i32 = arith.constant 0 : i32
    %c0_i32_0 = arith.constant 0 : i32
    %c0_i32_1 = arith.constant 0 : i32
    return %c0_i32, %c0_i32_0 : i32, i32
  }
  func.func @transform_7(%arg0: i32, %arg1: i32) -> i32 {
    %c0_i32 = arith.constant 0 : i32
    %c0_i32_0 = arith.constant 0 : i32
    return %c0_i32 : i32
  }
  func.func @transform_8(%arg0: i32, %arg1: i32) -> (i32, i32) {
    %c0_i32 = arith.constant 0 : i32
    %c0_i32_0 = arith.constant 0 : i32
    %c0_i32_1 = arith.constant 0 : i32
    return %c0_i32, %c0_i32_0 : i32, i32
  }
  func.func @transform_9(%arg0: i32, %arg1: i32) -> i32 {
    %c0_i32 = arith.constant 0 : i32
    %c0_i32_0 = arith.constant 0 : i32
    return %c0_i32 : i32
  }
  func.func @transform_10(%arg0: i32, %arg1: i32) -> (i32, i32, i32) {
    %c0_i32 = arith.constant 0 : i32
    %c0_i32_0 = arith.constant 0 : i32
    return %arg0, %arg1, %c0_i32 : i32, i32, i32
  }
}

module attributes {stable_mosaic.version = 14 : i64} {
  func.func @_fin_body(%arg0: i32, %arg1: i32, %arg2: memref<1728x128xf32, #tpu.memory_space<vmem>>, %arg3: memref<8x216xf32, #tpu.memory_space<vmem>>, %arg4: memref<1x64x8x216xf32, #tpu.memory_space<vmem>>) attributes {dimension_semantics = [#tpu.dimension_semantics<arbitrary>, #tpu.dimension_semantics<arbitrary>], iteration_bounds = array<i64: 2, 31>, scalar_prefetch = 0 : i64, scratch_operands = 0 : i64, tpu.core_type = #tpu.core_type<tc>, window_params = [{transform_indices = @transform_0, window_bounds = array<i64: 1728, 128>}, {transform_indices = @transform_1, window_bounds = array<i64: 8, 216>}, {transform_indices = @transform_2, window_bounds = array<i64: 1, 64, 8, 216>}]} {
    %get3A = arith.constant 0 : index
    %get3A_0 = arith.constant 0 : index
    %get3A_1 = vector.load %arg2[%get3A, %get3A_0] : memref<1728x128xf32, #tpu.memory_space<vmem>>, vector<1728x128xf32>
    %get3A_2 = arith.constant 0 : index
    %get3A_3 = arith.constant 0 : index
    %get3A_4 = vector.load %arg3[%get3A_2, %get3A_3] : memref<8x216xf32, #tpu.memory_space<vmem>>, vector<8x216xf32>
    %slice3A = vector.extract_strided_slice %get3A_1 {offsets = [0, 0], sizes = [216, 64], strides = [1, 1]} : vector<1728x128xf32> to vector<216x64xf32>
    %transpose3A = tpu.transpose %slice3A, [1, 0] : vector<216x64xf32> -> vector<64x216xf32>
    %broadcast_in_dim3A = vector.shape_cast %transpose3A : vector<64x216xf32> to vector<64x1x216xf32>
    %slice3A_5 = vector.extract_strided_slice %get3A_1 {offsets = [216, 0], sizes = [216, 64], strides = [1, 1]} : vector<1728x128xf32> to vector<216x64xf32>
    %transpose3A_6 = tpu.transpose %slice3A_5, [1, 0] : vector<216x64xf32> -> vector<64x216xf32>
    %broadcast_in_dim3A_7 = vector.shape_cast %transpose3A_6 : vector<64x216xf32> to vector<64x1x216xf32>
    %slice3A_8 = vector.extract_strided_slice %get3A_1 {offsets = [432, 0], sizes = [216, 64], strides = [1, 1]} : vector<1728x128xf32> to vector<216x64xf32>
    %transpose3A_9 = tpu.transpose %slice3A_8, [1, 0] : vector<216x64xf32> -> vector<64x216xf32>
    %broadcast_in_dim3A_10 = vector.shape_cast %transpose3A_9 : vector<64x216xf32> to vector<64x1x216xf32>
    %slice3A_11 = vector.extract_strided_slice %get3A_1 {offsets = [648, 0], sizes = [216, 64], strides = [1, 1]} : vector<1728x128xf32> to vector<216x64xf32>
    %transpose3A_12 = tpu.transpose %slice3A_11, [1, 0] : vector<216x64xf32> -> vector<64x216xf32>
    %broadcast_in_dim3A_13 = vector.shape_cast %transpose3A_12 : vector<64x216xf32> to vector<64x1x216xf32>
    %slice3A_14 = vector.extract_strided_slice %get3A_1 {offsets = [864, 0], sizes = [216, 64], strides = [1, 1]} : vector<1728x128xf32> to vector<216x64xf32>
    %transpose3A_15 = tpu.transpose %slice3A_14, [1, 0] : vector<216x64xf32> -> vector<64x216xf32>
    %broadcast_in_dim3A_16 = vector.shape_cast %transpose3A_15 : vector<64x216xf32> to vector<64x1x216xf32>
    %slice3A_17 = vector.extract_strided_slice %get3A_1 {offsets = [1080, 0], sizes = [216, 64], strides = [1, 1]} : vector<1728x128xf32> to vector<216x64xf32>
    %transpose3A_18 = tpu.transpose %slice3A_17, [1, 0] : vector<216x64xf32> -> vector<64x216xf32>
    %broadcast_in_dim3A_19 = vector.shape_cast %transpose3A_18 : vector<64x216xf32> to vector<64x1x216xf32>
    %slice3A_20 = vector.extract_strided_slice %get3A_1 {offsets = [1296, 0], sizes = [216, 64], strides = [1, 1]} : vector<1728x128xf32> to vector<216x64xf32>
    %transpose3A_21 = tpu.transpose %slice3A_20, [1, 0] : vector<216x64xf32> -> vector<64x216xf32>
    %broadcast_in_dim3A_22 = vector.shape_cast %transpose3A_21 : vector<64x216xf32> to vector<64x1x216xf32>
    %slice3A_23 = vector.extract_strided_slice %get3A_1 {offsets = [1512, 0], sizes = [216, 64], strides = [1, 1]} : vector<1728x128xf32> to vector<216x64xf32>
    %transpose3A_24 = tpu.transpose %slice3A_23, [1, 0] : vector<216x64xf32> -> vector<64x216xf32>
    %broadcast_in_dim3A_25 = vector.shape_cast %transpose3A_24 : vector<64x216xf32> to vector<64x1x216xf32>
    %concatenate3A = tpu.concatenate %broadcast_in_dim3A, %broadcast_in_dim3A_7, %broadcast_in_dim3A_10, %broadcast_in_dim3A_13, %broadcast_in_dim3A_16, %broadcast_in_dim3A_19, %broadcast_in_dim3A_22, %broadcast_in_dim3A_25 in 1 : vector<64x1x216xf32>, vector<64x1x216xf32>, vector<64x1x216xf32>, vector<64x1x216xf32>, vector<64x1x216xf32>, vector<64x1x216xf32>, vector<64x1x216xf32>, vector<64x1x216xf32> -> vector<64x8x216xf32>
    %broadcast_in_dim3A_26 = vector.shape_cast %get3A_4 : vector<8x216xf32> to vector<1x8x216xf32>
    %gt3A = arith.constant 5.000000e-01 : f32
    %gt3A_27 = vector.broadcast %gt3A : f32 to vector<1x8x216xf32>
    %gt3A_28 = arith.cmpf ogt, %broadcast_in_dim3A_26, %gt3A_27 : vector<1x8x216xf32>
    %jit3A = arith.constant 0.000000e+00 : f32
    %broadcast_in_dim3A_29 = vector.shape_cast %gt3A_28 : vector<1x8x216xi1> to vector<1x8x216xi1>
    %broadcast_in_dim3A_30 = vector.broadcast %broadcast_in_dim3A_29 : vector<1x8x216xi1> to vector<64x8x216xi1>
    %broadcast_in_dim3A_31 = vector.broadcast %jit3A : f32 to vector<64x8x216xf32>
    %select_n3A = arith.select %broadcast_in_dim3A_30, %concatenate3A, %broadcast_in_dim3A_31 : vector<64x8x216xi1>, vector<64x8x216xf32>
    %swap3A = arith.constant 0 : index
    %swap3A_32 = arith.constant 0 : index
    %swap3A_33 = arith.constant 0 : index
    %swap3A_34 = arith.constant 0 : index
    %swap3A_35 = vector.load %arg4[%swap3A, %swap3A_32, %swap3A_33, %swap3A_34] : memref<1x64x8x216xf32, #tpu.memory_space<vmem>>, vector<1x64x8x216xf32>
    %swap3A_36 = vector.shape_cast %swap3A_35 : vector<1x64x8x216xf32> to vector<64x8x216xf32>
    %swap3A_37 = vector.shape_cast %select_n3A : vector<64x8x216xf32> to vector<1x64x8x216xf32>
    tpu.vector_store %arg4[%swap3A, %swap3A_32, %swap3A_33, %swap3A_34], %swap3A_37 {strides = array<i32>} : memref<1x64x8x216xf32, #tpu.memory_space<vmem>>, vector<1x64x8x216xf32>,
    return
  }
  func.func @transform_0(%arg0: i32, %arg1: i32) -> (i32, i32) {
    %mul3A = arith.constant 31 : i32
    %mul3A_0 = arith.muli %arg0, %mul3A : i32
    %add3A = arith.addi %mul3A_0, %arg1 : i32
    %c0_i32 = arith.constant 0 : i32
    %c0_i32_1 = arith.constant 0 : i32
    return %add3A, %c0_i32 : i32, i32
  }
  func.func @transform_1(%arg0: i32, %arg1: i32) -> (i32, i32) {
    %mul3A = arith.constant 31 : i32
    %mul3A_0 = arith.muli %arg0, %mul3A : i32
    %add3A = arith.addi %mul3A_0, %arg1 : i32
    %c0_i32 = arith.constant 0 : i32
    %c0_i32_1 = arith.constant 0 : i32
    return %add3A, %c0_i32 : i32, i32
  }
  func.func @transform_2(%arg0: i32, %arg1: i32) -> (i32, i32, i32, i32) {
    %c0_i32 = arith.constant 0 : i32
    %c0_i32_0 = arith.constant 0 : i32
    %c0_i32_1 = arith.constant 0 : i32
    return %arg0, %c0_i32, %arg1, %c0_i32_0 : i32, i32, i32, i32
  }
}

</mosaic_0001>

<sc_bundles>
// kernel: kernel.10.cloned.1.call-start
scs
__scs_entry_jumppad:
0x0: {  	(pc) =	sbr.rel $0x88, $3  }
0x1: {  	(tag) =	ssettag $0x0;
	lr =	simm.s32 $0x1  }
0x2: {  	[smem:$0x3F91] =	sst lr;
	_ =	strace $0xD0000000  }
0x3: {  	_ = 	snop  }
0x4: {  	_ = 	snop  }
0x5: {  	_ = 	snop  }
0x6: {  	_ = 	snop  }
0x7: {  	_ = 	snop  }
__scs_overlays_trampoline_lowered:
0x8: {  	[smem:$0x3FA0] =	sst s0  }
0x9: {  	[smem:$0x3FA1] =	sst s1  }
0xa: {  	[smem:$0x3FA2] =	sst s2  }
0xb: {  	[smem:$0x3FA3] =	sst s3  }
0xc: {  	[smem:$0x3FA4] =	sst s4  }
0xd: {  	[smem:$0x3FA5] =	sst s5  }
0xe: {  	[smem:$0x3FA6] =	sst s6  }
0xf: {  	[smem:$0x3FA7] =	sst s7  }
0x10: {  	[smem:$0x3FA8] =	sst s8  }
0x11: {  	[smem:$0x3FA9] =	sst s9;
	s0 =	simm.s32 @!p0 $0x0  }
0x12: {  	s1 =	sld [smem:$0x3F8F];
	s0 =	simm.s32 @p0 $0x1  }
0x13: {  	[smem:$0x3FAA] =	sst s0;
	s0 =	simm.s32 @!p1 $0x0  }
0x14: {  	s2 =	sld [smem:$0x3F8E];
	s0 =	simm.s32 @p1 $0x1  }
0x15: {  	[smem:$0x3FAB] =	sst s0;
	s0 =	simm.s32 @!p2 $0x0  }
0x16: {  	s3 =	sld [smem:$0x3FDB];
	s0 =	simm.s32 @p2 $0x1  }
0x17: {  	s4 =	simm.s32 $0x1BF5;
	[smem:$0x3FAD] =	sst s0  }
0x18: {  	s0 =	sld [smem:$0x3F90];
	_ =	swait.ge [sflag:s4], $0x0  }
0x19: {  	s7 =	sld [smem:$0x3F91]  }
0x1a: {  	s8 =	sadd.s32 $0xFFFFE003, lr  }
0x1b: {  	s9 =	sadd.s32 $0xFFFFFEF7, lr;
	s5 =	simm.s32 $0xFFFFFFFF;
	p2 =	slt.u32 s8, $0xFFFFF086  }
0x1c: {  	p1 =	slt.u32 s9, $0xF7A;
	s5 =	simm.s32 @!p2 $0x0  }
0x1d: {  	s5 =	simm.s32 @p1 $0x1;
	p0 =	seq.s32 s7, s2  }
0x1e: {  	s7 =	smul.u32 @!p0 $0xF7A, s2;
	p2 =	seq.s32 @!p0 s5, $0x0  }
0x1f: {  	s9 =	smul.u32 $0xF7A, s1;
	s8 =	simm.s32 @!p0 $0x1BF5;
	p2 =	por !p2, p0  }
0x20: {  	[sflag:s8] =	ssyncset.s32 @!p0 $0xFFFFF086;
	s6 =	sadd.s32 @!p0 s3, s7;
	s7 =	simm.s32 @!p0 $0x108  }
0x21: {  	s3 =	sadd.s32 s3, s9;
	s6 =	sadd.s32 @!p0 $0x88, s6;
	s7 =	simm.s32 @p2 $0x1082  }
0x22: {  	[simem:s7], [sflag:s8] =	dma.local @!p0 [hbm:s6], $0xF7A  }
0x23: {  	s9 =	sor.u32 $0xD0000000, s2;
	s6 =	simm.s32 $0x108;
	_ =	swait.ge @!p0 [sflag:s8], $0x0  }
0x24: {  	s3 =	sadd.s32 $0x88, s3;
	s6 =	simm.s32 @!p1 $0x1082;
	[sflag:s4] =	ssyncset.s32 $0xFFFFF086  }
0x25: {  	[simem:s6], [sflag:s4] =	dma.local [hbm:s3], $0xF7A  }
0x26: {  	[smem:$0x3F91] =	sst s1;
	(tag) =	ssettag s2;
	_ =	strace s9  }
0x27: {  	s1 =	sld [smem:$0x3FA1]  }
0x28: {  	s2 =	sld [smem:$0x3FA2]  }
0x29: {  	s4 =	sld [smem:$0x3FA4]  }
0x2a: {  	p0 =	seq.s32 s5, $0x0;
	s5 =	sld [smem:$0x3FA5]  }
0x2b: {  	s6 =	sld [smem:$0x3FA6]  }
0x2c: {  	s7 =	sld [smem:$0x3FA7]  }
0x2d: {  	s3 =	simm.s32 $0x108;
	s8 =	sld [smem:$0x3FA8]  }
0x2e: {  	s3 =	simm.s32 @!p0 $0x1082;
	s9 =	sld [smem:$0x3FA9]  }
0x2f: {  	lr =	sadd.s32 s0, s3;
	s0 =	sld [smem:$0x3FA0]  }
0x30: {  	s3 =	sld [smem:$0x3FA3]  }
0x31: {  	[smem:$0x3FAC] =	sst s10  }
0x32: {  	s10 =	sld [smem:$0x3FAA];
	_ =	sdelay $0x3  }
0x33: {  	p0 =	seq.s32 s10, $0x1;
	s10 =	sld [smem:$0x3FAC];
	_ =	sdelay $0x3  }
0x34: {  	[smem:$0x3FAC] =	sst s10  }
0x35: {  	s10 =	sld [smem:$0x3FAB];
	_ =	sdelay $0x3  }
0x36: {  	p1 =	seq.s32 s10, $0x1;
	s10 =	sld [smem:$0x3FAC];
	_ =	sdelay $0x3  }
0x37: {  	[smem:$0x3FAC] =	sst s10  }
0x38: {  	s10 =	sld [smem:$0x3FAD]  }
0x39: {  	_ = 	snop;
	(pc) =	sbr.ind lr, $3  }
0x3a: {  	_ = 	snop  }
0x3b: {  	_ = 	snop  }
0x3c: {  	p2 =	seq.s32 s10, $0x1;
	s10 =	sld [smem:$0x3FAC]  }
0x3d: {  	_ =	shalt  }
0x3e: {  	_ =	shalt  }
0x3f: {  	_ =	shalt  }
0x40: {  	_ =	shalt  }
0x41: {  	_ =	shalt  }
0x42: {  	_ =	shalt  }
0x43: {  	_ =	shalt  }
0x44: {  	_ =	shalt  }
0x45: {  	_ =	shalt  }
0x46: {  	_ =	shalt  }
0x47: {  	_ =	shalt  }
0x48: {  	_ =	shalt  }
0x49: {  	_ =	shalt  }
0x4a: {  	_ =	shalt  }
0x4b: {  	_ =	shalt  }
0x4c: {  	_ =	shalt  }
0x4d: {  	_ =	shalt  }
0x4e: {  	_ =	shalt  }
0x4f: {  	_ =	shalt  }
0x50: {  	_ =	shalt  }
0x51: {  	_ =	shalt  }
0x52: {  	_ =	shalt  }
0x53: {  	_ =	shalt  }
0x54: {  	_ =	shalt  }
0x55: {  	_ =	shalt  }
0x56: {  	_ =	shalt  }
0x57: {  	_ =	shalt  }
0x58: {  	_ =	shalt  }
0x59: {  	_ =	shalt  }
0x5a: {  	_ =	shalt  }
0x5b: {  	_ =	shalt  }
0x5c: {  	_ =	shalt  }
0x5d: {  	_ =	shalt  }
0x5e: {  	_ =	shalt  }
0x5f: {  	_ =	shalt  }
0x60: {  	_ =	shalt  }
0x61: {  	_ =	shalt  }
0x62: {  	_ =	shalt  }
0x63: {  	_ =	shalt  }
0x64: {  	_ =	shalt  }
0x65: {  	_ =	shalt  }
0x66: {  	_ =	shalt  }
0x67: {  	_ =	shalt  }
0x68: {  	_ =	shalt  }
0x69: {  	_ =	shalt  }
0x6a: {  	_ =	shalt  }
0x6b: {  	_ =	shalt  }
0x6c: {  	_ =	shalt  }
0x6d: {  	_ =	shalt  }
0x6e: {  	_ =	shalt  }
0x6f: {  	_ =	shalt  }
0x70: {  	_ =	shalt  }
0x71: {  	_ =	shalt  }
0x72: {  	_ =	shalt  }
0x73: {  	_ =	shalt  }
0x74: {  	_ =	shalt  }
0x75: {  	_ =	shalt  }
0x76: {  	_ =	shalt  }
0x77: {  	_ =	shalt  }
0x78: {  	_ =	shalt  }
0x79: {  	_ =	shalt  }
0x7a: {  	_ =	shalt  }
0x7b: {  	_ =	shalt  }
0x7c: {  	_ =	shalt  }
0x7d: {  	_ =	shalt  }
0x7e: {  	_ =	shalt  }
0x7f: {  	_ =	shalt  }
0x80: {  	_ =	shalt  }
0x81: {  	_ =	shalt  }
0x82: {  	_ =	shalt  }
0x83: {  	_ =	shalt  }
0x84: {  	_ =	shalt  }
0x85: {  	_ =	shalt  }
0x86: {  	_ =	shalt  }
0x87: {  	_ =	shalt  }
.Lfunc_end0:
.L_simem_size_0:
called_computation.1_lowered:
.L_overlay_start_0:
0x88: {  	s2 =	sld [smem:$0x3FD9]  }
0x89: {  	s3 =	sld [smem:$0x3FFE];
	_ =	sdelay $0x1  }
0x8a: {  	s1 =	srdreg.scid  }
0x8b: {  	s0 =	sand.u32 $0x1, s1  }
0x8c: {  	s17 =	sshll.u32 s0, $0xA;
	s2 =	sadd.s32 s3, s2  }
0x8d: {  	s2 =	sadd.s32 s2, s17  }
0x8e: {  	[smem:$0x3FB8] =	sst s2  }
0x8f: {  	_ = 	snop  }
0x90: {  	s18 =	sld [smem:$0x3FD0];
	(tm) =	ssettm $0x1  }
0x91: {  	s19 =	sld [smem:$0x3FFB];
	_ =	sdelay $0x3  }
0x92: {  	_ =	strace s19  }
0x93: {  	s2 =	sld [smem:$0x3FFC];
	_ =	sdelay $0x3  }
0x94: {  	_ =	strace s2  }
0x95: {  	s2 =	sld [smem:$0x3FFD];
	_ =	sdelay $0x3  }
0x96: {  	_ =	strace s2  }
0x97: {  	_ =	strace $0x8FFFFFFF  }
0x98: {  	s20 =	sld [smem:$0x3FDB];
	_ =	sdelay $0x1  }
0x99: {  	s4 =	simm.s32 $_scs_section_size  }
0x9a: {  	s5 =	simm.s32 $_size__tile_overlayer_lowered;
	s6 =	simm.s32 $_tile_overlayer_lowered  }
0x9b: {  	s7 =	simm.s32 $0x1BFF;
	s21 =	sshll.u32 s6, $0x1;
	s4 =	sadd.s32 s4, s20  }
0x9c: {  	s22 =	simm.s32 $0x0;
	s5 =	sshll.u32 s5, $0x1;
	s6 =	sadd.s32 s21, s4  }
0x9d: {  	[timem:s22], [sflag:s7] =	dma.local [hbm:s6], s5  }
0x9e: {  	_ =	swait.ge [sflag:s7], s5  }
0x9f: {  	s5 =	ssub.s32 $0x0, s5;
	[sflag:s7] =	ssyncset.done $0x0  }
0xa0: {  	[sflag:s7] =	ssyncadd.s32 s5;
	_ =	sdelay $0x1  }
0xa1: {  	s23 =	simm.s32 $0x1B8B  }
0xa2: {  	_ =	swait.ge [sflag:s23], $0x1  }
0xa3: {  	[sflag:s23] =	ssyncset.done $0x0  }
0xa4: {  	[sflag:s23] =	ssyncadd.s32 $0xFFFFFFFF  }
0xa5: {  	s5 =	sld [smem:$0x0]  }
0xa6: {  	s6 =	sand.u32 $0xFFFFFFFE, s1  }
0xa7: {  	p0 =	sne.s32 s1, s6  }
0xa8: {  	s6 =	sshll.u32 @p0 s6, $0xE  }
0xa9: {  	s6 =	sadd.s32 @p0 $0x11B8D, s6;
	s7 =	sshll.u32 @p0 s5, $0x11  }
0xaa: {  	s6 =	sor.u32 @p0 s7, s6  }
0xab: {  	[sflag:s6] =	ssyncadd.remote.s32 @p0 $0x1;
	_ =	sdelay $0x1  }
0xac: {  	s6 =	simm.s32 @p0 $0x1B8D  }
0xad: {  	_ =	swait.eq @p0 [sflag:s6], $0x1  }
0xae: {  	[sflag:s6] =	ssyncadd.s32 @p0 $0xFFFFFFFF  }
0xaf: {  	s7 =	sshll.u32 @!p0 s1, $0xE  }
0xb0: {  	s7 =	sor.u32 @!p0 $0x4000, s7;
	s6 =	simm.s32 @!p0 $0x1B8D  }
0xb1: {  	s5 =	sshll.u32 @!p0 s5, $0x11;
	s7 =	sadd.s32 @!p0 $0x11B8D, s7;
	_ =	swait.eq @!p0 [sflag:s6], $0x1  }
0xb2: {  	s5 =	sor.u32 @!p0 s5, s7;
	[sflag:s6] =	ssyncadd.s32 @!p0 $0xFFFFFFFF  }
0xb3: {  	s25 =	simm.s32 $0x1B8E;
	s24 =	sld [smem:$0x3FFE];
	[sflag:s5] =	ssyncadd.remote.s32 @!p0 $0x1  }
0xb4: {  	s26 =	simm.s32 $execute0_lowered;
	[smem:$0x3FD2] =	sst s25  }
0xb5: {  	s6 =	sshll.u32 s26, $0x1;
	_ =	strace $0x80000049;
	[dreg:$0x1] =	wrdreg $0xFFFFFFFF  }
0xb6: {  	s28 =	simm.s32 $_size_execute0_lowered;
	s4 =	sadd.s32 s4, s6;
	[dreg:$0x0] =	wrdreg $0x0  }
0xb7: {  	s6 =	sshll.u32 s28, $0x1;
	[dreg:$0x2] =	wrdreg s4  }
0xb8: {  	[dreg:$0x3] =	wrdreg s6  }
0xb9: {  	[dreg:$0x4] =	wrdreg $0xC0  }
0xba: {  	_ =	task [dreg:s22], $0x5FFFF  }
0xbb: {  	[dreg:$0x1] =	wrdreg $0xFFFFFFFF  }
0xbc: {  	[dreg:$0x0] =	wrdreg $0x60  }
0xbd: {  	[dreg:$0x2] =	wrdreg s18  }
0xbe: {  	[dreg:$0x3] =	wrdreg s24  }
0xbf: {  	[dreg:$0x4] =	wrdreg $0xA  }
0xc0: {  	_ =	task.clear_ibuf [dreg:s22], $0x5FFFF;
	_ =	strace $0x90000049  }
0xc1: {  	s29 =	simm.s32 $0xA;
	_ =	strace $0x8000004B  }
0xc2: {  	_ =	swait.ge [sflag:s29], $0x1  }
0xc3: {  	[sflag:s29] =	ssyncadd.s32 $0xFFFFFFFF  }
0xc4: {  	_ =	strace $0x9000004B  }
0xc5: {  	_ =	sfence  }
0xc6: {  	s30 =	sld [smem:$0x0];
	_ =	sdelay $0x2  }
0xc7: {  	s31 =	sshll.u32 s1, $0xD;
	s1 =	sshrl.u32 s1, $0x2  }
0xc8: {  	s4 =	sand.u32 $0x4000, s31;
	s1 =	sadd.s32 s1, s30  }
0xc9: {  	s0 =	sor.u32 s4, s0;
	s1 =	sshll.u32 s1, $0x11  }
0xca: {  	s0 =	sor.u32 s1, s0  }
0xcb: {  	s0 =	sadd.s32 $0x8F2B, s0  }
0xcc: {  	[sflag:s0] =	ssyncadd.remote.s32 $0x1  }
0xcd: {  	_ =	sfence.sel $0xFFFF  }
0xce: {  	[dreg:$0x0] =	wrdreg $0xFFFFFFFF;
	(pc) =	sbr.abs _section_cstart, $3  }
0xcf: {  	[dreg:$0x1] =	wrdreg $0xFFFFFFFF  }
0xd0: {  	_ =	task.clear_ibuf [dreg:s22], $0x2FFFF;
	_ =	strace $0x9FFFFFFF  }
0xd1: {  	(tm) =	ssettm $0x7FFFFFFF  }
tec
execute0_lowered:
.L_overlay_start_1:
0x0: {  	(tag) =	ssettag $0x1  }
0x1: {  	s1 =	stileid.u32  }
0x2: {  	p0 =	sgt.u32 s1, $0x9  }
.Ltmp0:
0x3: {  	_ = 	snop;
	(pc) =	sbr.rel @p0 .LBB2_4-.Ltmp0, $4  }
0x4: {  	s7 =	rddreg [dreg:$0x0]  }
0x5: {  	s9 =	rddreg [dreg:$0x1];
	s2 =	simm.s32 $0x0  }
0x6: {  	[smem:$0x7FF] =	sst s2  }
0x7: {  	s0 =	rddreg [dreg:$0x2];
	_ =	strace $0x8000004A  }
0x8: {  	s3 =	srdreg.scid  }
0x9: {  	s29 =	sshll.u32 s1, $0x1;
	s4 =	sshll.u32 s1, $0x7;
	s8 =	sand.u32 $0x1, s3  }
0xa: {  	s5 =	sadd.s32 $0x5600, s9;
	s4 =	sand.u32 $0x600, s4;
	s3 =	sor.u32 s8, s29  }
0xb: {  	s4 =	sadd.s32 s5, s4;
	s5 =	simm.s32 $0x400;
	s6 =	sshll.u32 s3, $0x4  }
0xc: {  	s31 =	ssub.s32 $0x2, s8;
	s10 =	smul.u32 $0x1900, s3;
	s30 =	sand.u32 $0x70, s6  }
0xd: {  	s6 =	simm.s32 $0x2;
	s3 =	sadd.s32 s30, s4;
	s4 =	simm.s32 $0x80  }
0xe: {  	[tilespmem:s2], [sflag:$0x2] =	stream.strided.gather [hbm4b:s3+s4], $0x200, s5, s4, $0x38;
	[tilespmem:$0xCA00] =	vst v63  }
0xf: {  	s11 =	sshrl.u32 s31, $0x1;
	_ =	swait.ge [sflag:s6], $0x200  }
0x10: {  	s7 =	sadd.s32 s7, s10;
	s10 =	ssub.s32 s31, s11;
	[sflag:s6] =	ssyncset.done $0x0  }
0x11: {  	s8 =	simm.s32 $0x200;
	s12 =	smax.u32 s10, $0x1;
	[sflag:s6] =	ssyncadd.s32 $0xFFFFFE00  }
0x12: {  	[tilespmem:s8], [sflag:$0x2] =	stream.linear.gather [hbm4b:s7+s2], $0xC800, $0x38;
	[tilespmem:$0xCA00] =	vst v63  }
0x13: {  	p0 =	sne.s32 s12, $0x1;
	_ =	swait.ge [sflag:s6], $0xC800  }
.Ltmp1:
0x14: {  	s9 =	sadd.s32 $0x5C00, s9;
	[sflag:s6] =	ssyncset.done $0x0;
	(pc) =	sbr.rel @!p0 .LBB2_3-.Ltmp1, $4  }
0x15: {  	s11 =	simm.s32 $0x190;
	s10 =	simm.s32 $0x1;
	[sflag:s6] =	ssyncadd.s32 $0xFFFF3800  }
0x16: {  	[hbm4b:s9+s11] =	stream.indirect.scatter [tilespmem:s8], [sflag:$0x1], $0x80, s2, s11, $0xb8;
	[tilespmem:$0xCA00] =	vst v63  }
0x17: {  	_ =	swait.ge [sflag:s10], $0xC800  }
0x18: {  	s12 =	sadd.s32 $0xFFFFFFFF, s12;
	[sflag:s10] =	ssyncset.done $0x0  }
.LBB2_2:
0x19: {  	p0 =	sne.s32 s12, $0x1;
	s12 =	sadd.s32 $0xFFFFFFFF, s12;
	[sflag:s10] =	ssyncadd.s32 $0xFFFF3800  }
0x1a: {  	[tilespmem:s2], [sflag:$0x2] =	stream.strided.gather [hbm4b:s3+s4], $0x200, s5, s4, $0x38;
	[tilespmem:$0xCA00] =	vst v63  }
0x1b: {  	_ =	swait.ge [sflag:s6], $0x200  }
0x1c: {  	[sflag:s6] =	ssyncset.done $0x0  }
0x1d: {  	[sflag:s6] =	ssyncadd.s32 $0xFFFFFE00  }
0x1e: {  	[tilespmem:s8], [sflag:$0x2] =	stream.linear.gather [hbm4b:s7+s2], $0xC800, $0x38;
	[tilespmem:$0xCA00] =	vst v63  }
0x1f: {  	_ =	swait.ge [sflag:s6], $0xC800  }
.Ltmp2:
0x20: {  	[sflag:s6] =	ssyncset.done $0x0;
	(pc) =	sbr.rel @p0 .LBB2_2-.Ltmp2, $4  }
0x21: {  	[sflag:s6] =	ssyncadd.s32 $0xFFFF3800  }
0x22: {  	[hbm4b:s9+s11] =	stream.indirect.scatter [tilespmem:s8], [sflag:$0x1], $0x80, s2, s11, $0xb8;
	[tilespmem:$0xCA00] =	vst v63  }
0x23: {  	_ =	swait.ge [sflag:s10], $0xC800  }
0x24: {  	[sflag:s10] =	ssyncset.done $0x0  }
.LBB2_3:
0x25: {  	[sflag:s10] =	ssyncadd.s32 $0xFFFF3800  }
.LBB2_4:
0x26: {  	_ =	sfence.sel $0x180000  }
0x27: {  	[bflag:$0x0] =	sbarrier.arrive $0xFFFF  }
0x28: {  	p0 =	sne.s32 s1, $0x0;
	_ =	strace $0x9000004A  }
0x29: {  	s0 =	sadd.s32 @!p0 $0x100000, s0;
	[bflag:$0x2] =	sbarrier.arrive $0xFFFF  }
0x2a: {  	[sflag:s0] =	ssyncadd.tile.s32 @!p0 $0x1;
	_ =	shalt  }
.Lfunc_end2:
_tile_overlayer_lowered:
.L_overlay_start_2:
0x2b: {  	(tag) =	ssettag $0x2  }
0x2c: {  	s0 =	rddreg [dreg:$0x0];
	s2 =	stileid.u32  }
0x2d: {  	s1 =	rddreg [dreg:$0x1];
	p0 =	sne.s32 s2, $0x0  }
0x2e: {  	s3 =	rddreg [dreg:$0x2];
	[bflag:$0x3] =	sbarrier.arrive $0xFFFF;
	s2 =	simm.s32 @!p0 $0x1C02  }
0x2f: {  	[timem:s3], [sflag:s2] =	dma.local @!p0 [hbm:s0], s1  }
0x30: {  	s0 =	simm.s32 @!p0 $0x2  }
0x31: {  	_ =	swait.ge @!p0 [sflag:s0], s1  }
0x32: {  	s1 =	ssub.s32 @!p0 $0x0, s1;
	[sflag:s0] =	ssyncset.done @!p0 $0x0  }
0x33: {  	[sflag:s0] =	ssyncadd.s32 @!p0 s1  }
0x34: {  	[bflag:$0x3] =	sbarrier.arrive $0xFFFF  }
0x35: {  	_ =	shalt  }

// kernel: kernel.7.cloned.1.call-start
scs
__scs_entry_jumppad:
0x0: {  	(pc) =	sbr.rel $0x88, $3  }
0x1: {  	(tag) =	ssettag $0x0;
	lr =	simm.s32 $0x1  }
0x2: {  	[smem:$0x3F91] =	sst lr;
	_ =	strace $0xD0000000  }
0x3: {  	_ = 	snop  }
0x4: {  	_ = 	snop  }
0x5: {  	_ = 	snop  }
0x6: {  	_ = 	snop  }
0x7: {  	_ = 	snop  }
__scs_overlays_trampoline_lowered:
0x8: {  	[smem:$0x3FA0] =	sst s0  }
0x9: {  	[smem:$0x3FA1] =	sst s1  }
0xa: {  	[smem:$0x3FA2] =	sst s2  }
0xb: {  	[smem:$0x3FA3] =	sst s3  }
0xc: {  	[smem:$0x3FA4] =	sst s4  }
0xd: {  	[smem:$0x3FA5] =	sst s5  }
0xe: {  	[smem:$0x3FA6] =	sst s6  }
0xf: {  	[smem:$0x3FA7] =	sst s7  }
0x10: {  	[smem:$0x3FA8] =	sst s8  }
0x11: {  	[smem:$0x3FA9] =	sst s9;
	s0 =	simm.s32 @!p0 $0x0  }
0x12: {  	s1 =	sld [smem:$0x3F8F];
	s0 =	simm.s32 @p0 $0x1  }
0x13: {  	[smem:$0x3FAA] =	sst s0;
	s0 =	simm.s32 @!p1 $0x0  }
0x14: {  	s2 =	sld [smem:$0x3F8E];
	s0 =	simm.s32 @p1 $0x1  }
0x15: {  	[smem:$0x3FAB] =	sst s0;
	s0 =	simm.s32 @!p2 $0x0  }
0x16: {  	s3 =	sld [smem:$0x3FDB];
	s0 =	simm.s32 @p2 $0x1  }
0x17: {  	s4 =	simm.s32 $0x1BF5;
	[smem:$0x3FAD] =	sst s0  }
0x18: {  	s0 =	sld [smem:$0x3F90];
	_ =	swait.ge [sflag:s4], $0x0  }
0x19: {  	s7 =	sld [smem:$0x3F91]  }
0x1a: {  	s8 =	sadd.s32 $0xFFFFE003, lr  }
0x1b: {  	s9 =	sadd.s32 $0xFFFFFEF7, lr;
	s5 =	simm.s32 $0xFFFFFFFF;
	p2 =	slt.u32 s8, $0xFFFFF086  }
0x1c: {  	p1 =	slt.u32 s9, $0xF7A;
	s5 =	simm.s32 @!p2 $0x0  }
0x1d: {  	s5 =	simm.s32 @p1 $0x1;
	p0 =	seq.s32 s7, s2  }
0x1e: {  	s7 =	smul.u32 @!p0 $0xF7A, s2;
	p2 =	seq.s32 @!p0 s5, $0x0  }
0x1f: {  	s9 =	smul.u32 $0xF7A, s1;
	s8 =	simm.s32 @!p0 $0x1BF5;
	p2 =	por !p2, p0  }
0x20: {  	[sflag:s8] =	ssyncset.s32 @!p0 $0xFFFFF086;
	s6 =	sadd.s32 @!p0 s3, s7;
	s7 =	simm.s32 @!p0 $0x108  }
0x21: {  	s3 =	sadd.s32 s3, s9;
	s6 =	sadd.s32 @!p0 $0x88, s6;
	s7 =	simm.s32 @p2 $0x1082  }
0x22: {  	[simem:s7], [sflag:s8] =	dma.local @!p0 [hbm:s6], $0xF7A  }
0x23: {  	s9 =	sor.u32 $0xD0000000, s2;
	s6 =	simm.s32 $0x108;
	_ =	swait.ge @!p0 [sflag:s8], $0x0  }
0x24: {  	s3 =	sadd.s32 $0x88, s3;
	s6 =	simm.s32 @!p1 $0x1082;
	[sflag:s4] =	ssyncset.s32 $0xFFFFF086  }
0x25: {  	[simem:s6], [sflag:s4] =	dma.local [hbm:s3], $0xF7A  }
0x26: {  	[smem:$0x3F91] =	sst s1;
	(tag) =	ssettag s2;
	_ =	strace s9  }
0x27: {  	s1 =	sld [smem:$0x3FA1]  }
0x28: {  	s2 =	sld [smem:$0x3FA2]  }
0x29: {  	s4 =	sld [smem:$0x3FA4]  }
0x2a: {  	p0 =	seq.s32 s5, $0x0;
	s5 =	sld [smem:$0x3FA5]  }
0x2b: {  	s6 =	sld [smem:$0x3FA6]  }
0x2c: {  	s7 =	sld [smem:$0x3FA7]  }
0x2d: {  	s3 =	simm.s32 $0x108;
	s8 =	sld [smem:$0x3FA8]  }
0x2e: {  	s3 =	simm.s32 @!p0 $0x1082;
	s9 =	sld [smem:$0x3FA9]  }
0x2f: {  	lr =	sadd.s32 s0, s3;
	s0 =	sld [smem:$0x3FA0]  }
0x30: {  	s3 =	sld [smem:$0x3FA3]  }
0x31: {  	[smem:$0x3FAC] =	sst s10  }
0x32: {  	s10 =	sld [smem:$0x3FAA];
	_ =	sdelay $0x3  }
0x33: {  	p0 =	seq.s32 s10, $0x1;
	s10 =	sld [smem:$0x3FAC];
	_ =	sdelay $0x3  }
0x34: {  	[smem:$0x3FAC] =	sst s10  }
0x35: {  	s10 =	sld [smem:$0x3FAB];
	_ =	sdelay $0x3  }
0x36: {  	p1 =	seq.s32 s10, $0x1;
	s10 =	sld [smem:$0x3FAC];
	_ =	sdelay $0x3  }
0x37: {  	[smem:$0x3FAC] =	sst s10  }
0x38: {  	s10 =	sld [smem:$0x3FAD]  }
0x39: {  	_ = 	snop;
	(pc) =	sbr.ind lr, $3  }
0x3a: {  	_ = 	snop  }
0x3b: {  	_ = 	snop  }
0x3c: {  	p2 =	seq.s32 s10, $0x1;
	s10 =	sld [smem:$0x3FAC]  }
0x3d: {  	_ =	shalt  }
0x3e: {  	_ =	shalt  }
0x3f: {  	_ =	shalt  }
0x40: {  	_ =	shalt  }
0x41: {  	_ =	shalt  }
0x42: {  	_ =	shalt  }
0x43: {  	_ =	shalt  }
0x44: {  	_ =	shalt  }
0x45: {  	_ =	shalt  }
0x46: {  	_ =	shalt  }
0x47: {  	_ =	shalt  }
0x48: {  	_ =	shalt  }
0x49: {  	_ =	shalt  }
0x4a: {  	_ =	shalt  }
0x4b: {  	_ =	shalt  }
0x4c: {  	_ =	shalt  }
0x4d: {  	_ =	shalt  }
0x4e: {  	_ =	shalt  }
0x4f: {  	_ =	shalt  }
0x50: {  	_ =	shalt  }
0x51: {  	_ =	shalt  }
0x52: {  	_ =	shalt  }
0x53: {  	_ =	shalt  }
0x54: {  	_ =	shalt  }
0x55: {  	_ =	shalt  }
0x56: {  	_ =	shalt  }
0x57: {  	_ =	shalt  }
0x58: {  	_ =	shalt  }
0x59: {  	_ =	shalt  }
0x5a: {  	_ =	shalt  }
0x5b: {  	_ =	shalt  }
0x5c: {  	_ =	shalt  }
0x5d: {  	_ =	shalt  }
0x5e: {  	_ =	shalt  }
0x5f: {  	_ =	shalt  }
0x60: {  	_ =	shalt  }
0x61: {  	_ =	shalt  }
0x62: {  	_ =	shalt  }
0x63: {  	_ =	shalt  }
0x64: {  	_ =	shalt  }
0x65: {  	_ =	shalt  }
0x66: {  	_ =	shalt  }
0x67: {  	_ =	shalt  }
0x68: {  	_ =	shalt  }
0x69: {  	_ =	shalt  }
0x6a: {  	_ =	shalt  }
0x6b: {  	_ =	shalt  }
0x6c: {  	_ =	shalt  }
0x6d: {  	_ =	shalt  }
0x6e: {  	_ =	shalt  }
0x6f: {  	_ =	shalt  }
0x70: {  	_ =	shalt  }
0x71: {  	_ =	shalt  }
0x72: {  	_ =	shalt  }
0x73: {  	_ =	shalt  }
0x74: {  	_ =	shalt  }
0x75: {  	_ =	shalt  }
0x76: {  	_ =	shalt  }
0x77: {  	_ =	shalt  }
0x78: {  	_ =	shalt  }
0x79: {  	_ =	shalt  }
0x7a: {  	_ =	shalt  }
0x7b: {  	_ =	shalt  }
0x7c: {  	_ =	shalt  }
0x7d: {  	_ =	shalt  }
0x7e: {  	_ =	shalt  }
0x7f: {  	_ =	shalt  }
0x80: {  	_ =	shalt  }
0x81: {  	_ =	shalt  }
0x82: {  	_ =	shalt  }
0x83: {  	_ =	shalt  }
0x84: {  	_ =	shalt  }
0x85: {  	_ =	shalt  }
0x86: {  	_ =	shalt  }
0x87: {  	_ =	shalt  }
.Lfunc_end0:
.L_simem_size_0:
called_computation_lowered:
.L_overlay_start_0:
0x88: {  	s0 =	sld [smem:$0x3FD9]  }
0x89: {  	s1 =	sld [smem:$0x3FFE];
	_ =	sdelay $0x3  }
0x8a: {  	s0 =	sadd.s32 s1, s0  }
0x8b: {  	[smem:$0x3FB8] =	sst s0  }
0x8c: {  	_ = 	snop  }
0x8d: {  	(tm) =	ssettm $0x1  }
0x8e: {  	s15 =	sld [smem:$0x3FFB];
	_ =	sdelay $0x3  }
0x8f: {  	_ =	strace s15  }
0x90: {  	s0 =	sld [smem:$0x3FFC];
	_ =	sdelay $0x3  }
0x91: {  	_ =	strace s0  }
0x92: {  	s0 =	sld [smem:$0x3FFD];
	_ =	sdelay $0x3  }
0x93: {  	_ =	strace s0  }
0x94: {  	_ =	strace $0x8FFFFFFF  }
0x95: {  	s16 =	sld [smem:$0x3FDB];
	_ =	sdelay $0x1  }
0x96: {  	s17 =	simm.s32 $_scs_section_size  }
0x97: {  	s2 =	simm.s32 $_size__tile_overlayer_lowered;
	s3 =	simm.s32 $_tile_overlayer_lowered  }
0x98: {  	s20 =	simm.s32 $0x1BFF;
	s19 =	sshll.u32 s3, $0x1;
	s0 =	sadd.s32 s17, s16  }
0x99: {  	s4 =	simm.s32 $0x0;
	s18 =	sshll.u32 s2, $0x1;
	s2 =	sadd.s32 s19, s0  }
0x9a: {  	[timem:s4], [sflag:s20] =	dma.local [hbm:s2], s18  }
0x9b: {  	_ =	swait.ge [sflag:s20], s18  }
0x9c: {  	s1 =	ssub.s32 $0x0, s18;
	[sflag:s20] =	ssyncset.done $0x0  }
0x9d: {  	[sflag:s20] =	ssyncadd.s32 s1;
	_ =	sdelay $0x1  }
0x9e: {  	s21 =	simm.s32 $0x1B8B  }
0x9f: {  	_ =	swait.ge [sflag:s21], $0x1  }
0xa0: {  	[sflag:s21] =	ssyncset.done $0x0  }
0xa1: {  	s23 =	simm.s32 $0x1B8E;
	s22 =	sld [smem:$0x3FFE];
	[sflag:s21] =	ssyncadd.s32 $0xFFFFFFFF  }
0xa2: {  	s24 =	simm.s32 $execute0_lowered;
	[smem:$0x3FD2] =	sst s23  }
0xa3: {  	s2 =	sshll.u32 s24, $0x1;
	_ =	strace $0x80000046;
	[dreg:$0x1] =	wrdreg $0xFFFFFFFF  }
0xa4: {  	s25 =	simm.s32 $_size_execute0_lowered;
	s0 =	sadd.s32 s0, s2;
	[dreg:$0x0] =	wrdreg $0x0  }
0xa5: {  	s2 =	sshll.u32 s25, $0x1;
	[dreg:$0x2] =	wrdreg s0  }
0xa6: {  	[dreg:$0x3] =	wrdreg s2  }
0xa7: {  	[dreg:$0x4] =	wrdreg $0xC0  }
0xa8: {  	_ =	task [dreg:s4], $0x5FFFF  }
0xa9: {  	[dreg:$0x1] =	wrdreg $0xFFFFFFFF  }
0xaa: {  	[dreg:$0x0] =	wrdreg $0x60  }
0xab: {  	[dreg:$0x2] =	wrdreg s22  }
0xac: {  	[dreg:$0x3] =	wrdreg $0x9  }
0xad: {  	_ =	task.clear_ibuf [dreg:s4], $0x4FFFF;
	_ =	strace $0x90000046  }
0xae: {  	s26 =	simm.s32 $0x9;
	_ =	strace $0x80000048  }
0xaf: {  	_ =	swait.ge [sflag:s26], $0x1  }
0xb0: {  	[sflag:s26] =	ssyncadd.s32 $0xFFFFFFFF  }
0xb1: {  	_ =	strace $0x90000048  }
0xb2: {  	_ =	sfence  }
0xb3: {  	s28 =	sld [smem:$0x0];
	_ =	sdelay $0x1  }
0xb4: {  	s29 =	srdreg.scid  }
0xb5: {  	s30 =	sshll.u32 s29, $0xD;
	s31 =	sshrl.u32 s29, $0x2  }
0xb6: {  	s1 =	sand.u32 $0x1, s29;
	s2 =	sand.u32 $0x4000, s30;
	s0 =	sadd.s32 s31, s28  }
0xb7: {  	s1 =	sor.u32 s2, s1;
	s0 =	sshll.u32 s0, $0x11  }
0xb8: {  	s0 =	sor.u32 s0, s1  }
0xb9: {  	s0 =	sadd.s32 $0x8F2B, s0  }
0xba: {  	[sflag:s0] =	ssyncadd.remote.s32 $0x1  }
0xbb: {  	_ =	sfence.sel $0xFFFF  }
0xbc: {  	[dreg:$0x0] =	wrdreg $0xFFFFFFFF;
	(pc) =	sbr.abs _section_cstart, $3  }
0xbd: {  	[dreg:$0x1] =	wrdreg $0xFFFFFFFF  }
0xbe: {  	_ =	task.clear_ibuf [dreg:s4], $0x2FFFF;
	_ =	strace $0x9FFFFFFF  }
0xbf: {  	(tm) =	ssettm $0x7FFFFFFF  }
tec
execute0_lowered:
.L_overlay_start_1:
0x0: {  	(tag) =	ssettag $0x1  }
0x1: {  	s2 =	rddreg [dreg:$0x0]  }
0x2: {  	s0 =	rddreg [dreg:$0x1];
	s1 =	stileid.u32  }
0x3: {  	s3 =	simm.s32 $0x0;
	s5 =	simm.s32 $0x40;
	s4 =	smul.u32 $0x345, s1  }
0x4: {  	[smem:$0x7FF] =	sst s3;
	s3 =	sadd.s32 $0x1C00, s2;
	s2 =	sadd.s32 $0x2000, s2  }
0x5: {  	v0 =	vimm.f32 $0.0e+00;
	s6 =	simm.s32 $0x0;
	_ =	strace $0x80000047;
	s4 =	sadd.s32 s2, s4  }
.LBB2_1:
0x6: {  	p0 =	sne.s32 s5, $0x6880;
	[tilespmem:s6+$0x0] =	vst v0;
	s6 =	smov.u32 s5;
	s5 =	sadd.s32 $0x40, s5  }
.Ltmp0:
0x7: {  	(pc) =	sbr.rel @p0 .LBB2_1-.Ltmp0, $2  }
0x8: {  	_ =	sdelay $0x2  }
0x9: {  	s6 =	sshra.s32 s6, $0x2  }
0xa: {  	[tilespmem:s6+$0x0] =	vst v0;
	v63 =	vimm.f32 $1.000000000e+00  }
0xb: {  	[tilespmem:$0x1C28] =	vst v63  }
0xc: {  	[tilespmem:$0x1C38] =	vst v63  }
0xd: {  	[tilespmem:$0x1C48] =	vst v63  }
0xe: {  	[tilespmem:$0x1C58] =	vst v63  }
0xf: {  	[tilespmem:$0x1C68] =	vst v63  }
0x10: {  	[tilespmem:$0x1C78] =	vst v63  }
0x11: {  	[tilespmem:$0x1C88] =	vst v63  }
0x12: {  	[tilespmem:$0x1C98] =	vst v63  }
0x13: {  	[tilespmem:$0x1CA8] =	vst v63  }
0x14: {  	[tilespmem:$0x1CB8] =	vst v63  }
0x15: {  	[tilespmem:$0x1CC8] =	vst v63  }
0x16: {  	[tilespmem:$0x1CD8] =	vst v63  }
0x17: {  	[tilespmem:$0x1CE8] =	vst v63  }
0x18: {  	[tilespmem:$0x1CF8] =	vst v63  }
0x19: {  	[tilespmem:$0x1D08] =	vst v63  }
0x1a: {  	[tilespmem:$0x1D18] =	vst v63  }
0x1b: {  	[tilespmem:$0x1D28] =	vst v63  }
0x1c: {  	[tilespmem:$0x1D38] =	vst v63  }
0x1d: {  	[tilespmem:$0x1D48] =	vst v63  }
0x1e: {  	[tilespmem:$0x1D58] =	vst v63  }
0x1f: {  	[tilespmem:$0x1D68] =	vst v63  }
0x20: {  	[tilespmem:$0x1D78] =	vst v63  }
0x21: {  	[tilespmem:$0x1D88] =	vst v63  }
0x22: {  	[tilespmem:$0x1D98] =	vst v63  }
0x23: {  	[tilespmem:$0x1DA8] =	vst v63  }
0x24: {  	[tilespmem:$0x1DB8] =	vst v63  }
0x25: {  	[tilespmem:$0x1DC8] =	vst v63  }
0x26: {  	[tilespmem:$0x1DD8] =	vst v63  }
0x27: {  	[tilespmem:$0x1DE8] =	vst v63  }
0x28: {  	[tilespmem:$0x1DF8] =	vst v63  }
0x29: {  	[tilespmem:$0x1E08] =	vst v63  }
0x2a: {  	s5 =	simm.s32 $0x0;
	s25 =	simm.s32 $0x2;
	[tilespmem:$0x1E18] =	vst v63  }
0x2b: {  	[hbm4b:s4+s5] =	stream.linear.scatter [tilespmem:s5], [sflag:$0x2], $0x1A28, $0x38;
	[tilespmem:$0x1E28] =	vst v63  }
0x2c: {  	_ =	swait.ge [sflag:s25], $0x1A28  }
0x2d: {  	s26 =	smul.u32 $0x3F, s1;
	[sflag:s25] =	ssyncset.done $0x0  }
0x2e: {  	[sflag:s25] =	ssyncadd.s32 $0xFFFFE5D8  }
0x2f: {  	s28 =	simm.s32 $0x1A30;
	s3 =	sadd.s32 s3, s26;
	[bflag:$0x0] =	sbarrier.arrive $0xFFFF  }
0x30: {  	[tilespmem:s28], [sflag:$0x2] =	stream.linear.gather [hbm4b:s3+s5], $0x1F8, $0x38;
	[tilespmem:$0x1E28] =	vst v63  }
0x31: {  	_ =	swait.ge [sflag:s25], $0x1F8  }
0x32: {  	s29 =	simm.s32 $0x1F4;
	[sflag:s25] =	ssyncset.done $0x0  }
0x33: {  	s30 =	simm.s32 $0x1C28;
	s31 =	simm.s32 $0x1;
	[sflag:s25] =	ssyncadd.s32 $0xFFFFFE08  }
0x34: {  	[hbm4b:s2+s29] =	stream.indirect.scatter [tilespmem:s30], [sflag:$0x1], $0x1, s28, s29, $0xb8;
	[tilespmem:$0x1E28] =	vst v63  }
0x35: {  	_ =	swait.ge [sflag:s31], $0x1F4  }
0x36: {  	[sflag:s31] =	ssyncset.done $0x0  }
0x37: {  	[sflag:s31] =	ssyncadd.s32 $0xFFFFFE0C  }
0x38: {  	_ =	sfence.sel $0x180000  }
0x39: {  	[bflag:$0x0] =	sbarrier.arrive $0xFFFF  }
0x3a: {  	p0 =	sne.s32 s1, $0x0;
	_ =	strace $0x90000047  }
0x3b: {  	s0 =	sadd.s32 @!p0 $0x100000, s0;
	[bflag:$0x2] =	sbarrier.arrive $0xFFFF  }
0x3c: {  	[sflag:s0] =	ssyncadd.tile.s32 @!p0 $0x1;
	_ =	shalt  }
.Lfunc_end2:
_tile_overlayer_lowered:
.L_overlay_start_2:
0x3d: {  	(tag) =	ssettag $0x2  }
0x3e: {  	s0 =	rddreg [dreg:$0x0];
	s2 =	stileid.u32  }
0x3f: {  	s1 =	rddreg [dreg:$0x1];
	p0 =	sne.s32 s2, $0x0  }
0x40: {  	s3 =	rddreg [dreg:$0x2];
	[bflag:$0x3] =	sbarrier.arrive $0xFFFF;
	s2 =	simm.s32 @!p0 $0x1C02  }
0x41: {  	[timem:s3], [sflag:s2] =	dma.local @!p0 [hbm:s0], s1  }
0x42: {  	s0 =	simm.s32 @!p0 $0x2  }
0x43: {  	_ =	swait.ge @!p0 [sflag:s0], s1  }
0x44: {  	s1 =	ssub.s32 @!p0 $0x0, s1;
	[sflag:s0] =	ssyncset.done @!p0 $0x0  }
0x45: {  	[sflag:s0] =	ssyncadd.s32 @!p0 s1  }
0x46: {  	[bflag:$0x3] =	sbarrier.arrive $0xFFFF  }
0x47: {  	_ =	shalt  }

</sc_bundles>
